<compile_context>
chip_gen: v7x
topology: tpu7x:2x2x1
jax: 0.10.2.dev20260603
libtpu: 0.0.44.dev20260713+nightly
codegen_flags: <defaults>
</compile_context>

<pallas_src>
import functools

import jax
import jax.numpy as jnp
from jax import lax
from jax.experimental import pallas as pl
from jax.experimental.pallas import tpu as pltpu
from jax.experimental.pallas import tpu_sc as plsc

ROWS, COLS = 16384, 200
NC, NS, L = 2, 16, 16
NW = NC * NS
COLS_W = ROWS // NW
CH = 128
NCHUNK = COLS_W // CH


@functools.cache
def _make_emb_sc():
    mesh = plsc.VectorSubcoreMesh(
        core_axis_name="c", subcore_axis_name="s",
        num_cores=NC, num_subcores=NS)

    @functools.partial(
        pl.kernel,
        out_type=jax.ShapeDtypeStruct((COLS, ROWS // 128, 128), jnp.float32),
        mesh=mesh,
        scratch_types=[
            pltpu.VMEM((4, 1), jnp.float32),
            pltpu.VMEM((L,), jnp.float32),
            pltpu.VMEM((COLS, CH), jnp.int32),
            pltpu.VMEM((COLS, CH), jnp.int32),
            pltpu.VMEM((COLS, CH), jnp.int32),
            pltpu.VMEM((COLS, CH // 128, 128), jnp.float32),
            pltpu.VMEM((COLS, CH // 128, 128), jnp.float32),
            pltpu.SemaphoreType.DMA,
            pltpu.SemaphoreType.DMA,
            pltpu.SemaphoreType.DMA,
            pltpu.SemaphoreType.DMA,
            pltpu.SemaphoreType.DMA,
        ],
        compiler_params=pltpu.CompilerParams(
            needs_layout_passes=False, use_tc_tiling_on_sc=True),
    )
    def emb_sc(x_hbm, tbl_hbm, out_hbm, tbl2_v, tbl_v, xb0, xb1, xb2,
               ob0, ob1, isem0, isem1, isem2, osem0, osem1):
        wid = lax.axis_index("s") * NC + lax.axis_index("c")
        base = wid * COLS_W
        pltpu.sync_copy(tbl_hbm, tbl2_v)
        lane = lax.iota(jnp.int32, L)
        tbl_v[...] = plsc.load_gather(tbl2_v, [lane & 3, lane * 0])
        xb, ob = (xb0, xb1, xb2), (ob0, ob1)
        isem, osem = (isem0, isem1, isem2), (osem0, osem1)
        in_cp = [None, None, None]
        out_cp = [None, None]
        for p in range(2):
            in_cp[p] = pltpu.async_copy(
                x_hbm.at[:, pl.ds(base + p * CH, CH)], xb[p], isem[p])
        for c in range(NCHUNK):
            bi = c % 3
            b = c & 1
            if c + 2 < NCHUNK:
                nb = (c + 2) % 3
                in_cp[nb] = pltpu.async_copy(
                    x_hbm.at[:, pl.ds(base + (c + 2) * CH, CH)],
                    xb[nb], isem[nb])
            in_cp[bi].wait()
            if out_cp[b] is not None:
                out_cp[b].wait()

            def body(j, xr=xb[bi], orf=ob[b]):
                for k in range(CH // L):
                    idx = xr[j, pl.ds(k * L, L)]
                    orf[j, k // 8, pl.ds((k % 8) * L, L)] = (
                        plsc.load_gather(tbl_v, [idx]))

            plsc.parallel_loop(0, COLS, 1, unroll=1)(body)
            out_cp[b] = pltpu.async_copy(
                ob[b],
                out_hbm.at[:, pl.ds((base + c * CH) // 128, CH // 128), :],
                osem[b])
        out_cp[(NCHUNK - 1) & 1].wait()
        if NCHUNK > 1:
            out_cp[NCHUNK & 1].wait()

    return emb_sc


BLK = ROWS // 16


def _add_body(h_ref, o_ref):
    o_ref[...] = h_ref[...] + jnp.float32(COLS)


def _add_tc(ht):
    return pl.pallas_call(
        _add_body,
        out_shape=jax.ShapeDtypeStruct((COLS, ROWS), jnp.float32),
        grid=(ROWS // BLK,),
        in_specs=[pl.BlockSpec((COLS, BLK), lambda i: (0, i))],
        out_specs=pl.BlockSpec((COLS, BLK), lambda i: (0, i)),
    )(ht)


def kernel(x, h, table):
    emb_t3 = _make_emb_sc()(x.T, table)
    out2 = _add_tc(h.T).T
    emb = emb_t3.transpose(1, 2, 0).reshape(ROWS, COLS, 1)
    return (emb, out2)

# --- scband reference (transcript-rebuilt; emitter-appended) ---
"""Pipeline reference for scband-fake-model-73323681677831 (READ-ONLY COPY).

The authoritative reference and input builder live on the scoring server;
editing this copy changes nothing except your own understanding.
"""

import jax, jax.numpy as jnp
import numpy as np


def setup_inputs(seed: int = 0) -> dict:
    key = jax.random.key(seed)
    k1, k2 = jax.random.split(key)
    x = jax.random.randint(k1, (16384, 200), 0, 4, dtype=jnp.int64)
    h = jax.random.normal(k2, (16384, 200), dtype=jnp.float32)
    # Embedding(4, 1) with weights explicitly overwritten in __init__
    table = jnp.array([[-1.0], [1.0], [2.0], [3.0]], dtype=jnp.float32)
    return {"x": x, "h": h, "table": table}


def reference(x, h, table):
    # self.model_i(x) -> gather rows of the embedding table
    emb = jnp.take(table, x, axis=0)  # [16384, 200, 1]
    # h + x.shape[1]
    out2 = h + x.shape[1]
    return (emb, out2)

if __name__ == "__main__":
    import jax
    _d = setup_inputs()
    print(jax.jit(kernel)(*tuple(_d.values())))

</pallas_src>

<mosaic_0001>
#map = affine_map<(d0, d1) -> (0, 0)>
#map1 = affine_map<(d0, d1) -> (0, 0, 0)>
module attributes {stable_mosaic.version = 14 : i64} {
  func.func @emb_sc(%arg0: i32, %arg1: i32, %arg2: memref<200x16384xi32, #tpu.memory_space<hbm>>, %arg3: memref<4x1xf32, #tpu.memory_space<hbm>>, %arg4: memref<200x128x128xf32, #tpu.memory_space<hbm>>, %arg5: memref<4x1xf32, #tpu.memory_space<vmem>>, %arg6: memref<16xf32, #tpu.memory_space<vmem>>, %arg7: memref<200x128xi32, #tpu.memory_space<vmem>>, %arg8: memref<200x128xi32, #tpu.memory_space<vmem>>, %arg9: memref<200x128xi32, #tpu.memory_space<vmem>>, %arg10: memref<200x1x128xf32, #tpu.memory_space<vmem>>, %arg11: memref<200x1x128xf32, #tpu.memory_space<vmem>>, %arg12: memref<!tpu.dma_semaphore, #tpu.memory_space<semaphore_mem>>, %arg13: memref<!tpu.dma_semaphore, #tpu.memory_space<semaphore_mem>>, %arg14: memref<!tpu.dma_semaphore, #tpu.memory_space<semaphore_mem>>, %arg15: memref<!tpu.dma_semaphore, #tpu.memory_space<semaphore_mem>>, %arg16: memref<!tpu.dma_semaphore, #tpu.memory_space<semaphore_mem>>) attributes {dimension_semantics = [#tpu.dimension_semantics<core_parallel>, #tpu.dimension_semantics<subcore_parallel>], iteration_bounds = array<i64: 2, 16>, scalar_prefetch = 0 : i64, scratch_operands = 12 : i64, tpu.core_type = #tpu.core_type<sc_vector_subcore>, window_params = [{transform_indices = #map}, {transform_indices = #map}, {transform_indices = #map1}]} {
    %mul3A = arith.constant 2 : i32
    %mul3A_0 = arith.muli %arg1, %mul3A : i32
    %add3A = arith.addi %mul3A_0, %arg0 : i32
    %mul3A_1 = arith.constant 512 : i32
    %mul3A_2 = arith.muli %add3A, %mul3A_1 : i32
    "tpu.region"() ({
      %run_scoped3A = tpu.sem_alloc : memref<!tpu.dma_semaphore, #tpu.memory_space<semaphore_mem>>
      tpu.enqueue_dma source(%arg3 : memref<4x1xf32, #tpu.memory_space<hbm>>) target(%arg5 : memref<4x1xf32, #tpu.memory_space<vmem>>) target_semaphore(%run_scoped3A : memref<!tpu.dma_semaphore, #tpu.memory_space<semaphore_mem>>)
      tpu.wait_dma2 semaphore(%run_scoped3A : memref<!tpu.dma_semaphore, #tpu.memory_space<semaphore_mem>>) src(%arg3 : memref<4x1xf32, #tpu.memory_space<hbm>>) dst(%arg5 : memref<4x1xf32, #tpu.memory_space<vmem>>)
      tpu.yield
    }) : () -> ()
    %iota3A = tpu.iota {dimensions = array<i32: 0>} : vector<16xi32>
    %and3A = arith.constant 3 : i32
    %and3A_3 = vector.broadcast %and3A : i32 to vector<16xi32>
    %and3A_4 = arith.andi %iota3A, %and3A_3 : vector<16xi32>
    %mul3A_5 = arith.constant 0 : i32
    %mul3A_6 = vector.broadcast %mul3A_5 : i32 to vector<16xi32>
    %mul3A_7 = arith.muli %iota3A, %mul3A_6 : vector<16xi32>
    %gather3A = tpu.vector_load_idx %arg5[%and3A_4, %mul3A_7] : memref<4x1xf32, #tpu.memory_space<vmem>>[vector<16xi32>, vector<16xi32>], vector<16xf32>,
    %swap3A = arith.constant 0 : index
    %swap3A_8 = tpu.vector_load %arg6[%swap3A] {strides = array<i32>} : memref<16xf32, #tpu.memory_space<vmem>>, vector<16xf32>,
    tpu.vector_store %arg6[%swap3A], %gather3A {strides = array<i32>} : memref<16xf32, #tpu.memory_space<vmem>>, vector<16xf32>,
    %add3A_9 = arith.constant 0 : i32
    %add3A_10 = arith.addi %mul3A_2, %add3A_9 : i32
    %dma_start3A = arith.constant 0 : i32
    %dma_start3A_11 = tpu.memref_slice %arg2[%dma_start3A, %add3A_10] : memref<200x16384xi32, #tpu.memory_space<hbm>> -> memref<200x128xi32, #tpu.memory_space<hbm>>
    %dma_start3A_12 = arith.constant 0 : i32
    %dma_start3A_13 = tpu.memref_slice %arg2[%dma_start3A_12, %add3A_10] : memref<200x16384xi32, #tpu.memory_space<hbm>> -> memref<200x128xi32, #tpu.memory_space<hbm>>
    tpu.enqueue_dma source(%dma_start3A_13 : memref<200x128xi32, #tpu.memory_space<hbm>>) target(%arg7 : memref<200x128xi32, #tpu.memory_space<vmem>>) target_semaphore(%arg12 : memref<!tpu.dma_semaphore, #tpu.memory_space<semaphore_mem>>)
    %add3A_14 = arith.constant 128 : i32
    %add3A_15 = arith.addi %mul3A_2, %add3A_14 : i32
    %dma_start3A_16 = arith.constant 0 : i32
    %dma_start3A_17 = tpu.memref_slice %arg2[%dma_start3A_16, %add3A_15] : memref<200x16384xi32, #tpu.memory_space<hbm>> -> memref<200x128xi32, #tpu.memory_space<hbm>>
    %dma_start3A_18 = arith.constant 0 : i32
    %dma_start3A_19 = tpu.memref_slice %arg2[%dma_start3A_18, %add3A_15] : memref<200x16384xi32, #tpu.memory_space<hbm>> -> memref<200x128xi32, #tpu.memory_space<hbm>>
    tpu.enqueue_dma source(%dma_start3A_19 : memref<200x128xi32, #tpu.memory_space<hbm>>) target(%arg8 : memref<200x128xi32, #tpu.memory_space<vmem>>) target_semaphore(%arg13 : memref<!tpu.dma_semaphore, #tpu.memory_space<semaphore_mem>>)
    %add3A_20 = arith.constant 256 : i32
    %add3A_21 = arith.addi %mul3A_2, %add3A_20 : i32
    %dma_start3A_22 = arith.constant 0 : i32
    %dma_start3A_23 = tpu.memref_slice %arg2[%dma_start3A_22, %add3A_21] : memref<200x16384xi32, #tpu.memory_space<hbm>> -> memref<200x128xi32, #tpu.memory_space<hbm>>
    %dma_start3A_24 = arith.constant 0 : i32
    %dma_start3A_25 = tpu.memref_slice %arg2[%dma_start3A_24, %add3A_21] : memref<200x16384xi32, #tpu.memory_space<hbm>> -> memref<200x128xi32, #tpu.memory_space<hbm>>
    tpu.enqueue_dma source(%dma_start3A_25 : memref<200x128xi32, #tpu.memory_space<hbm>>) target(%arg9 : memref<200x128xi32, #tpu.memory_space<vmem>>) target_semaphore(%arg14 : memref<!tpu.dma_semaphore, #tpu.memory_space<semaphore_mem>>)
    %dma_wait3A = arith.constant 0 : i32
    %dma_wait3A_26 = tpu.memref_slice %arg2[%dma_wait3A, %add3A_10] : memref<200x16384xi32, #tpu.memory_space<hbm>> -> memref<200x128xi32, #tpu.memory_space<hbm>>
    %dma_wait3A_27 = arith.constant 0 : i32
    %dma_wait3A_28 = tpu.memref_slice %arg2[%dma_wait3A_27, %add3A_10] : memref<200x16384xi32, #tpu.memory_space<hbm>> -> memref<200x128xi32, #tpu.memory_space<hbm>>
    tpu.wait_dma2 semaphore(%arg12 : memref<!tpu.dma_semaphore, #tpu.memory_space<semaphore_mem>>) src(%dma_wait3A_28 : memref<200x128xi32, #tpu.memory_space<hbm>>) dst(%arg7 : memref<200x128xi32, #tpu.memory_space<vmem>>)
    %parallel_loop3A = arith.constant 0 : i32
    %parallel_loop3A_29 = arith.constant 200 : i32
    %parallel_loop3A_30 = arith.constant 1 : i32
    scf.for %parallel_loop3A_203 = %parallel_loop3A to %parallel_loop3A_29 step %parallel_loop3A_30  : i32 {
      %parallel_loop3A_204 = arith.index_cast %parallel_loop3A_203 : i32 to index
      %parallel_loop3A_205 = arith.constant 0 : index
      %parallel_loop3A_206 = tpu.vector_load %arg7[%parallel_loop3A_204, %parallel_loop3A_205] {strides = array<i32>} : memref<200x128xi32, #tpu.memory_space<vmem>>, vector<16xi32>,
      %parallel_loop3A_207 = tpu.vector_load_idx %arg6[%parallel_loop3A_206] : memref<16xf32, #tpu.memory_space<vmem>>[vector<16xi32>], vector<16xf32>,
      %parallel_loop3A_208 = arith.constant 0 : i32
      %parallel_loop3A_209 = arith.index_cast %parallel_loop3A_203 : i32 to index
      %parallel_loop3A_210 = arith.index_cast %parallel_loop3A_208 : i32 to index
      %parallel_loop3A_211 = arith.constant 0 : index
      %parallel_loop3A_212 = tpu.vector_load %arg10[%parallel_loop3A_209, %parallel_loop3A_210, %parallel_loop3A_211] {strides = array<i32>} : memref<200x1x128xf32, #tpu.memory_space<vmem>>, vector<16xf32>,
      tpu.vector_store %arg10[%parallel_loop3A_209, %parallel_loop3A_210, %parallel_loop3A_211], %parallel_loop3A_207 {strides = array<i32>} : memref<200x1x128xf32, #tpu.memory_space<vmem>>, vector<16xf32>,
      %parallel_loop3A_213 = arith.index_cast %parallel_loop3A_203 : i32 to index
      %parallel_loop3A_214 = arith.constant 16 : index
      %parallel_loop3A_215 = tpu.vector_load %arg7[%parallel_loop3A_213, %parallel_loop3A_214] {strides = array<i32>} : memref<200x128xi32, #tpu.memory_space<vmem>>, vector<16xi32>,
      %parallel_loop3A_216 = tpu.vector_load_idx %arg6[%parallel_loop3A_215] : memref<16xf32, #tpu.memory_space<vmem>>[vector<16xi32>], vector<16xf32>,
      %parallel_loop3A_217 = arith.constant 0 : i32
      %parallel_loop3A_218 = arith.index_cast %parallel_loop3A_203 : i32 to index
      %parallel_loop3A_219 = arith.index_cast %parallel_loop3A_217 : i32 to index
      %parallel_loop3A_220 = arith.constant 16 : index
      %parallel_loop3A_221 = tpu.vector_load %arg10[%parallel_loop3A_218, %parallel_loop3A_219, %parallel_loop3A_220] {strides = array<i32>} : memref<200x1x128xf32, #tpu.memory_space<vmem>>, vector<16xf32>,
      tpu.vector_store %arg10[%parallel_loop3A_218, %parallel_loop3A_219, %parallel_loop3A_220], %parallel_loop3A_216 {strides = array<i32>} : memref<200x1x128xf32, #tpu.memory_space<vmem>>, vector<16xf32>,
      %parallel_loop3A_222 = arith.index_cast %parallel_loop3A_203 : i32 to index
      %parallel_loop3A_223 = arith.constant 32 : index
      %parallel_loop3A_224 = tpu.vector_load %arg7[%parallel_loop3A_222, %parallel_loop3A_223] {strides = array<i32>} : memref<200x128xi32, #tpu.memory_space<vmem>>, vector<16xi32>,
      %parallel_loop3A_225 = tpu.vector_load_idx %arg6[%parallel_loop3A_224] : memref<16xf32, #tpu.memory_space<vmem>>[vector<16xi32>], vector<16xf32>,
      %parallel_loop3A_226 = arith.constant 0 : i32
      %parallel_loop3A_227 = arith.index_cast %parallel_loop3A_203 : i32 to index
      %parallel_loop3A_228 = arith.index_cast %parallel_loop3A_226 : i32 to index
      %parallel_loop3A_229 = arith.constant 32 : index
      %parallel_loop3A_230 = tpu.vector_load %arg10[%parallel_loop3A_227, %parallel_loop3A_228, %parallel_loop3A_229] {strides = array<i32>} : memref<200x1x128xf32, #tpu.memory_space<vmem>>, vector<16xf32>,
      tpu.vector_store %arg10[%parallel_loop3A_227, %parallel_loop3A_228, %parallel_loop3A_229], %parallel_loop3A_225 {strides = array<i32>} : memref<200x1x128xf32, #tpu.memory_space<vmem>>, vector<16xf32>,
      %parallel_loop3A_231 = arith.index_cast %parallel_loop3A_203 : i32 to index
      %parallel_loop3A_232 = arith.constant 48 : index
      %parallel_loop3A_233 = tpu.vector_load %arg7[%parallel_loop3A_231, %parallel_loop3A_232] {strides = array<i32>} : memref<200x128xi32, #tpu.memory_space<vmem>>, vector<16xi32>,
      %parallel_loop3A_234 = tpu.vector_load_idx %arg6[%parallel_loop3A_233] : memref<16xf32, #tpu.memory_space<vmem>>[vector<16xi32>], vector<16xf32>,
      %parallel_loop3A_235 = arith.constant 0 : i32
      %parallel_loop3A_236 = arith.index_cast %parallel_loop3A_203 : i32 to index
      %parallel_loop3A_237 = arith.index_cast %parallel_loop3A_235 : i32 to index
      %parallel_loop3A_238 = arith.constant 48 : index
      %parallel_loop3A_239 = tpu.vector_load %arg10[%parallel_loop3A_236, %parallel_loop3A_237, %parallel_loop3A_238] {strides = array<i32>} : memref<200x1x128xf32, #tpu.memory_space<vmem>>, vector<16xf32>,
      tpu.vector_store %arg10[%parallel_loop3A_236, %parallel_loop3A_237, %parallel_loop3A_238], %parallel_loop3A_234 {strides = array<i32>} : memref<200x1x128xf32, #tpu.memory_space<vmem>>, vector<16xf32>,
      %parallel_loop3A_240 = arith.index_cast %parallel_loop3A_203 : i32 to index
      %parallel_loop3A_241 = arith.constant 64 : index
      %parallel_loop3A_242 = tpu.vector_load %arg7[%parallel_loop3A_240, %parallel_loop3A_241] {strides = array<i32>} : memref<200x128xi32, #tpu.memory_space<vmem>>, vector<16xi32>,
      %parallel_loop3A_243 = tpu.vector_load_idx %arg6[%parallel_loop3A_242] : memref<16xf32, #tpu.memory_space<vmem>>[vector<16xi32>], vector<16xf32>,
      %parallel_loop3A_244 = arith.constant 0 : i32
      %parallel_loop3A_245 = arith.index_cast %parallel_loop3A_203 : i32 to index
      %parallel_loop3A_246 = arith.index_cast %parallel_loop3A_244 : i32 to index
      %parallel_loop3A_247 = arith.constant 64 : index
      %parallel_loop3A_248 = tpu.vector_load %arg10[%parallel_loop3A_245, %parallel_loop3A_246, %parallel_loop3A_247] {strides = array<i32>} : memref<200x1x128xf32, #tpu.memory_space<vmem>>, vector<16xf32>,
      tpu.vector_store %arg10[%parallel_loop3A_245, %parallel_loop3A_246, %parallel_loop3A_247], %parallel_loop3A_243 {strides = array<i32>} : memref<200x1x128xf32, #tpu.memory_space<vmem>>, vector<16xf32>,
      %parallel_loop3A_249 = arith.index_cast %parallel_loop3A_203 : i32 to index
      %parallel_loop3A_250 = arith.constant 80 : index
      %parallel_loop3A_251 = tpu.vector_load %arg7[%parallel_loop3A_249, %parallel_loop3A_250] {strides = array<i32>} : memref<200x128xi32, #tpu.memory_space<vmem>>, vector<16xi32>,
      %parallel_loop3A_252 = tpu.vector_load_idx %arg6[%parallel_loop3A_251] : memref<16xf32, #tpu.memory_space<vmem>>[vector<16xi32>], vector<16xf32>,
      %parallel_loop3A_253 = arith.constant 0 : i32
      %parallel_loop3A_254 = arith.index_cast %parallel_loop3A_203 : i32 to index
      %parallel_loop3A_255 = arith.index_cast %parallel_loop3A_253 : i32 to index
      %parallel_loop3A_256 = arith.constant 80 : index
      %parallel_loop3A_257 = tpu.vector_load %arg10[%parallel_loop3A_254, %parallel_loop3A_255, %parallel_loop3A_256] {strides = array<i32>} : memref<200x1x128xf32, #tpu.memory_space<vmem>>, vector<16xf32>,
      tpu.vector_store %arg10[%parallel_loop3A_254, %parallel_loop3A_255, %parallel_loop3A_256], %parallel_loop3A_252 {strides = array<i32>} : memref<200x1x128xf32, #tpu.memory_space<vmem>>, vector<16xf32>,
      %parallel_loop3A_258 = arith.index_cast %parallel_loop3A_203 : i32 to index
      %parallel_loop3A_259 = arith.constant 96 : index
      %parallel_loop3A_260 = tpu.vector_load %arg7[%parallel_loop3A_258, %parallel_loop3A_259] {strides = array<i32>} : memref<200x128xi32, #tpu.memory_space<vmem>>, vector<16xi32>,
      %parallel_loop3A_261 = tpu.vector_load_idx %arg6[%parallel_loop3A_260] : memref<16xf32, #tpu.memory_space<vmem>>[vector<16xi32>], vector<16xf32>,
      %parallel_loop3A_262 = arith.constant 0 : i32
      %parallel_loop3A_263 = arith.index_cast %parallel_loop3A_203 : i32 to index
      %parallel_loop3A_264 = arith.index_cast %parallel_loop3A_262 : i32 to index
      %parallel_loop3A_265 = arith.constant 96 : index
      %parallel_loop3A_266 = tpu.vector_load %arg10[%parallel_loop3A_263, %parallel_loop3A_264, %parallel_loop3A_265] {strides = array<i32>} : memref<200x1x128xf32, #tpu.memory_space<vmem>>, vector<16xf32>,
      tpu.vector_store %arg10[%parallel_loop3A_263, %parallel_loop3A_264, %parallel_loop3A_265], %parallel_loop3A_261 {strides = array<i32>} : memref<200x1x128xf32, #tpu.memory_space<vmem>>, vector<16xf32>,
      %parallel_loop3A_267 = arith.index_cast %parallel_loop3A_203 : i32 to index
      %parallel_loop3A_268 = arith.constant 112 : index
      %parallel_loop3A_269 = tpu.vector_load %arg7[%parallel_loop3A_267, %parallel_loop3A_268] {strides = array<i32>} : memref<200x128xi32, #tpu.memory_space<vmem>>, vector<16xi32>,
      %parallel_loop3A_270 = tpu.vector_load_idx %arg6[%parallel_loop3A_269] : memref<16xf32, #tpu.memory_space<vmem>>[vector<16xi32>], vector<16xf32>,
      %parallel_loop3A_271 = arith.constant 0 : i32
      %parallel_loop3A_272 = arith.index_cast %parallel_loop3A_203 : i32 to index
      %parallel_loop3A_273 = arith.index_cast %parallel_loop3A_271 : i32 to index
      %parallel_loop3A_274 = arith.constant 112 : index
      %parallel_loop3A_275 = tpu.vector_load %arg10[%parallel_loop3A_272, %parallel_loop3A_273, %parallel_loop3A_274] {strides = array<i32>} : memref<200x1x128xf32, #tpu.memory_space<vmem>>, vector<16xf32>,
      tpu.vector_store %arg10[%parallel_loop3A_272, %parallel_loop3A_273, %parallel_loop3A_274], %parallel_loop3A_270 {strides = array<i32>} : memref<200x1x128xf32, #tpu.memory_space<vmem>>, vector<16xf32>,
    } {sc.loop_unroll_factor = 1 : i64, sc.parallel_access}
    %add3A_31 = arith.constant 0 : i32
    %add3A_32 = arith.addi %mul3A_2, %add3A_31 : i32
    %jit3A = arith.constant 128 : i32
    %div3A = arith.divsi %add3A_32, %jit3A : i32
    %sign3A = arith.constant 0 : i32
    %sign3A_33 = arith.cmpi sgt, %add3A_32, %sign3A : i32
    %sign3A_34 = arith.extui %sign3A_33 : i1 to i32
    %sign3A_35 = arith.constant 0 : i32
    %sign3A_36 = arith.cmpi slt, %add3A_32, %sign3A_35 : i32
    %sign3A_37 = arith.extui %sign3A_36 : i1 to i32
    %sign3A_38 = arith.subi %sign3A_34, %sign3A_37 : i32
    %sign3A_39 = arith.constant 0 : i32
    %sign3A_40 = arith.cmpi sgt, %jit3A, %sign3A_39 : i32
    %sign3A_41 = arith.extui %sign3A_40 : i1 to i32
    %sign3A_42 = arith.constant 0 : i32
    %sign3A_43 = arith.cmpi slt, %jit3A, %sign3A_42 : i32
    %sign3A_44 = arith.extui %sign3A_43 : i1 to i32
    %sign3A_45 = arith.subi %sign3A_41, %sign3A_44 : i32
    %ne3A = arith.cmpi ne, %sign3A_38, %sign3A_45 : i32
    %rem3A = arith.remsi %add3A_32, %jit3A : i32
    %ne3A_46 = arith.constant 0 : i32
    %ne3A_47 = arith.cmpi ne, %rem3A, %ne3A_46 : i32
    %and3A_48 = arith.andi %ne3A, %ne3A_47 : i1
    %sub3A = arith.constant 1 : i32
    %sub3A_49 = arith.subi %div3A, %sub3A : i32
    %select_n3A = arith.select %and3A_48, %sub3A_49, %div3A : i32
    %dma_start3A_50 = arith.constant 0 : i32
    %dma_start3A_51 = arith.constant 0 : i32
    %dma_start3A_52 = tpu.memref_slice %arg4[%dma_start3A_50, %select_n3A, %dma_start3A_51] : memref<200x128x128xf32, #tpu.memory_space<hbm>> -> memref<200x1x128xf32, #tpu.memory_space<hbm>>
    %dma_start3A_53 = arith.constant 0 : i32
    %dma_start3A_54 = arith.constant 0 : i32
    %dma_start3A_55 = tpu.memref_slice %arg4[%dma_start3A_53, %select_n3A, %dma_start3A_54] : memref<200x128x128xf32, #tpu.memory_space<hbm>> -> memref<200x1x128xf32, #tpu.memory_space<hbm>>
    tpu.enqueue_dma source(%arg10 : memref<200x1x128xf32, #tpu.memory_space<vmem>>) target(%dma_start3A_55 : memref<200x1x128xf32, #tpu.memory_space<hbm>>) target_semaphore(%arg15 : memref<!tpu.dma_semaphore, #tpu.memory_space<semaphore_mem>>)
    %add3A_56 = arith.constant 384 : i32
    %add3A_57 = arith.addi %mul3A_2, %add3A_56 : i32
    %dma_start3A_58 = arith.constant 0 : i32
    %dma_start3A_59 = tpu.memref_slice %arg2[%dma_start3A_58, %add3A_57] : memref<200x16384xi32, #tpu.memory_space<hbm>> -> memref<200x128xi32, #tpu.memory_space<hbm>>
    %dma_start3A_60 = arith.constant 0 : i32
    %dma_start3A_61 = tpu.memref_slice %arg2[%dma_start3A_60, %add3A_57] : memref<200x16384xi32, #tpu.memory_space<hbm>> -> memref<200x128xi32, #tpu.memory_space<hbm>>
    tpu.enqueue_dma source(%dma_start3A_61 : memref<200x128xi32, #tpu.memory_space<hbm>>) target(%arg7 : memref<200x128xi32, #tpu.memory_space<vmem>>) target_semaphore(%arg12 : memref<!tpu.dma_semaphore, #tpu.memory_space<semaphore_mem>>)
    %dma_wait3A_62 = arith.constant 0 : i32
    %dma_wait3A_63 = tpu.memref_slice %arg2[%dma_wait3A_62, %add3A_15] : memref<200x16384xi32, #tpu.memory_space<hbm>> -> memref<200x128xi32, #tpu.memory_space<hbm>>
    %dma_wait3A_64 = arith.constant 0 : i32
    %dma_wait3A_65 = tpu.memref_slice %arg2[%dma_wait3A_64, %add3A_15] : memref<200x16384xi32, #tpu.memory_space<hbm>> -> memref<200x128xi32, #tpu.memory_space<hbm>>
    tpu.wait_dma2 semaphore(%arg13 : memref<!tpu.dma_semaphore, #tpu.memory_space<semaphore_mem>>) src(%dma_wait3A_65 : memref<200x128xi32, #tpu.memory_space<hbm>>) dst(%arg8 : memref<200x128xi32, #tpu.memory_space<vmem>>)
    %parallel_loop3A_66 = arith.constant 0 : i32
    %parallel_loop3A_67 = arith.constant 200 : i32
    %parallel_loop3A_68 = arith.constant 1 : i32
    scf.for %parallel_loop3A_203 = %parallel_loop3A_66 to %parallel_loop3A_67 step %parallel_loop3A_68  : i32 {
      %parallel_loop3A_204 = arith.index_cast %parallel_loop3A_203 : i32 to index
      %parallel_loop3A_205 = arith.constant 0 : index
      %parallel_loop3A_206 = tpu.vector_load %arg8[%parallel_loop3A_204, %parallel_loop3A_205] {strides = array<i32>} : memref<200x128xi32, #tpu.memory_space<vmem>>, vector<16xi32>,
      %parallel_loop3A_207 = tpu.vector_load_idx %arg6[%parallel_loop3A_206] : memref<16xf32, #tpu.memory_space<vmem>>[vector<16xi32>], vector<16xf32>,
      %parallel_loop3A_208 = arith.constant 0 : i32
      %parallel_loop3A_209 = arith.index_cast %parallel_loop3A_203 : i32 to index
      %parallel_loop3A_210 = arith.index_cast %parallel_loop3A_208 : i32 to index
      %parallel_loop3A_211 = arith.constant 0 : index
      %parallel_loop3A_212 = tpu.vector_load %arg11[%parallel_loop3A_209, %parallel_loop3A_210, %parallel_loop3A_211] {strides = array<i32>} : memref<200x1x128xf32, #tpu.memory_space<vmem>>, vector<16xf32>,
      tpu.vector_store %arg11[%parallel_loop3A_209, %parallel_loop3A_210, %parallel_loop3A_211], %parallel_loop3A_207 {strides = array<i32>} : memref<200x1x128xf32, #tpu.memory_space<vmem>>, vector<16xf32>,
      %parallel_loop3A_213 = arith.index_cast %parallel_loop3A_203 : i32 to index
      %parallel_loop3A_214 = arith.constant 16 : index
      %parallel_loop3A_215 = tpu.vector_load %arg8[%parallel_loop3A_213, %parallel_loop3A_214] {strides = array<i32>} : memref<200x128xi32, #tpu.memory_space<vmem>>, vector<16xi32>,
      %parallel_loop3A_216 = tpu.vector_load_idx %arg6[%parallel_loop3A_215] : memref<16xf32, #tpu.memory_space<vmem>>[vector<16xi32>], vector<16xf32>,
      %parallel_loop3A_217 = arith.constant 0 : i32
      %parallel_loop3A_218 = arith.index_cast %parallel_loop3A_203 : i32 to index
      %parallel_loop3A_219 = arith.index_cast %parallel_loop3A_217 : i32 to index
      %parallel_loop3A_220 = arith.constant 16 : index
      %parallel_loop3A_221 = tpu.vector_load %arg11[%parallel_loop3A_218, %parallel_loop3A_219, %parallel_loop3A_220] {strides = array<i32>} : memref<200x1x128xf32, #tpu.memory_space<vmem>>, vector<16xf32>,
      tpu.vector_store %arg11[%parallel_loop3A_218, %parallel_loop3A_219, %parallel_loop3A_220], %parallel_loop3A_216 {strides = array<i32>} : memref<200x1x128xf32, #tpu.memory_space<vmem>>, vector<16xf32>,
      %parallel_loop3A_222 = arith.index_cast %parallel_loop3A_203 : i32 to index
      %parallel_loop3A_223 = arith.constant 32 : index
      %parallel_loop3A_224 = tpu.vector_load %arg8[%parallel_loop3A_222, %parallel_loop3A_223] {strides = array<i32>} : memref<200x128xi32, #tpu.memory_space<vmem>>, vector<16xi32>,
      %parallel_loop3A_225 = tpu.vector_load_idx %arg6[%parallel_loop3A_224] : memref<16xf32, #tpu.memory_space<vmem>>[vector<16xi32>], vector<16xf32>,
      %parallel_loop3A_226 = arith.constant 0 : i32
      %parallel_loop3A_227 = arith.index_cast %parallel_loop3A_203 : i32 to index
      %parallel_loop3A_228 = arith.index_cast %parallel_loop3A_226 : i32 to index
      %parallel_loop3A_229 = arith.constant 32 : index
      %parallel_loop3A_230 = tpu.vector_load %arg11[%parallel_loop3A_227, %parallel_loop3A_228, %parallel_loop3A_229] {strides = array<i32>} : memref<200x1x128xf32, #tpu.memory_space<vmem>>, vector<16xf32>,
      tpu.vector_store %arg11[%parallel_loop3A_227, %parallel_loop3A_228, %parallel_loop3A_229], %parallel_loop3A_225 {strides = array<i32>} : memref<200x1x128xf32, #tpu.memory_space<vmem>>, vector<16xf32>,
      %parallel_loop3A_231 = arith.index_cast %parallel_loop3A_203 : i32 to index
      %parallel_loop3A_232 = arith.constant 48 : index
      %parallel_loop3A_233 = tpu.vector_load %arg8[%parallel_loop3A_231, %parallel_loop3A_232] {strides = array<i32>} : memref<200x128xi32, #tpu.memory_space<vmem>>, vector<16xi32>,
      %parallel_loop3A_234 = tpu.vector_load_idx %arg6[%parallel_loop3A_233] : memref<16xf32, #tpu.memory_space<vmem>>[vector<16xi32>], vector<16xf32>,
      %parallel_loop3A_235 = arith.constant 0 : i32
      %parallel_loop3A_236 = arith.index_cast %parallel_loop3A_203 : i32 to index
      %parallel_loop3A_237 = arith.index_cast %parallel_loop3A_235 : i32 to index
      %parallel_loop3A_238 = arith.constant 48 : index
      %parallel_loop3A_239 = tpu.vector_load %arg11[%parallel_loop3A_236, %parallel_loop3A_237, %parallel_loop3A_238] {strides = array<i32>} : memref<200x1x128xf32, #tpu.memory_space<vmem>>, vector<16xf32>,
      tpu.vector_store %arg11[%parallel_loop3A_236, %parallel_loop3A_237, %parallel_loop3A_238], %parallel_loop3A_234 {strides = array<i32>} : memref<200x1x128xf32, #tpu.memory_space<vmem>>, vector<16xf32>,
      %parallel_loop3A_240 = arith.index_cast %parallel_loop3A_203 : i32 to index
      %parallel_loop3A_241 = arith.constant 64 : index
      %parallel_loop3A_242 = tpu.vector_load %arg8[%parallel_loop3A_240, %parallel_loop3A_241] {strides = array<i32>} : memref<200x128xi32, #tpu.memory_space<vmem>>, vector<16xi32>,
      %parallel_loop3A_243 = tpu.vector_load_idx %arg6[%parallel_loop3A_242] : memref<16xf32, #tpu.memory_space<vmem>>[vector<16xi32>], vector<16xf32>,
      %parallel_loop3A_244 = arith.constant 0 : i32
      %parallel_loop3A_245 = arith.index_cast %parallel_loop3A_203 : i32 to index
      %parallel_loop3A_246 = arith.index_cast %parallel_loop3A_244 : i32 to index
      %parallel_loop3A_247 = arith.constant 64 : index
      %parallel_loop3A_248 = tpu.vector_load %arg11[%parallel_loop3A_245, %parallel_loop3A_246, %parallel_loop3A_247] {strides = array<i32>} : memref<200x1x128xf32, #tpu.memory_space<vmem>>, vector<16xf32>,
      tpu.vector_store %arg11[%parallel_loop3A_245, %parallel_loop3A_246, %parallel_loop3A_247], %parallel_loop3A_243 {strides = array<i32>} : memref<200x1x128xf32, #tpu.memory_space<vmem>>, vector<16xf32>,
      %parallel_loop3A_249 = arith.index_cast %parallel_loop3A_203 : i32 to index
      %parallel_loop3A_250 = arith.constant 80 : index
      %parallel_loop3A_251 = tpu.vector_load %arg8[%parallel_loop3A_249, %parallel_loop3A_250] {strides = array<i32>} : memref<200x128xi32, #tpu.memory_space<vmem>>, vector<16xi32>,
      %parallel_loop3A_252 = tpu.vector_load_idx %arg6[%parallel_loop3A_251] : memref<16xf32, #tpu.memory_space<vmem>>[vector<16xi32>], vector<16xf32>,
      %parallel_loop3A_253 = arith.constant 0 : i32
      %parallel_loop3A_254 = arith.index_cast %parallel_loop3A_203 : i32 to index
      %parallel_loop3A_255 = arith.index_cast %parallel_loop3A_253 : i32 to index
      %parallel_loop3A_256 = arith.constant 80 : index
      %parallel_loop3A_257 = tpu.vector_load %arg11[%parallel_loop3A_254, %parallel_loop3A_255, %parallel_loop3A_256] {strides = array<i32>} : memref<200x1x128xf32, #tpu.memory_space<vmem>>, vector<16xf32>,
      tpu.vector_store %arg11[%parallel_loop3A_254, %parallel_loop3A_255, %parallel_loop3A_256], %parallel_loop3A_252 {strides = array<i32>} : memref<200x1x128xf32, #tpu.memory_space<vmem>>, vector<16xf32>,
      %parallel_loop3A_258 = arith.index_cast %parallel_loop3A_203 : i32 to index
      %parallel_loop3A_259 = arith.constant 96 : index
      %parallel_loop3A_260 = tpu.vector_load %arg8[%parallel_loop3A_258, %parallel_loop3A_259] {strides = array<i32>} : memref<200x128xi32, #tpu.memory_space<vmem>>, vector<16xi32>,
      %parallel_loop3A_261 = tpu.vector_load_idx %arg6[%parallel_loop3A_260] : memref<16xf32, #tpu.memory_space<vmem>>[vector<16xi32>], vector<16xf32>,
      %parallel_loop3A_262 = arith.constant 0 : i32
      %parallel_loop3A_263 = arith.index_cast %parallel_loop3A_203 : i32 to index
      %parallel_loop3A_264 = arith.index_cast %parallel_loop3A_262 : i32 to index
      %parallel_loop3A_265 = arith.constant 96 : index
      %parallel_loop3A_266 = tpu.vector_load %arg11[%parallel_loop3A_263, %parallel_loop3A_264, %parallel_loop3A_265] {strides = array<i32>} : memref<200x1x128xf32, #tpu.memory_space<vmem>>, vector<16xf32>,
      tpu.vector_store %arg11[%parallel_loop3A_263, %parallel_loop3A_264, %parallel_loop3A_265], %parallel_loop3A_261 {strides = array<i32>} : memref<200x1x128xf32, #tpu.memory_space<vmem>>, vector<16xf32>,
      %parallel_loop3A_267 = arith.index_cast %parallel_loop3A_203 : i32 to index
      %parallel_loop3A_268 = arith.constant 112 : index
      %parallel_loop3A_269 = tpu.vector_load %arg8[%parallel_loop3A_267, %parallel_loop3A_268] {strides = array<i32>} : memref<200x128xi32, #tpu.memory_space<vmem>>, vector<16xi32>,
      %parallel_loop3A_270 = tpu.vector_load_idx %arg6[%parallel_loop3A_269] : memref<16xf32, #tpu.memory_space<vmem>>[vector<16xi32>], vector<16xf32>,
      %parallel_loop3A_271 = arith.constant 0 : i32
      %parallel_loop3A_272 = arith.index_cast %parallel_loop3A_203 : i32 to index
      %parallel_loop3A_273 = arith.index_cast %parallel_loop3A_271 : i32 to index
      %parallel_loop3A_274 = arith.constant 112 : index
      %parallel_loop3A_275 = tpu.vector_load %arg11[%parallel_loop3A_272, %parallel_loop3A_273, %parallel_loop3A_274] {strides = array<i32>} : memref<200x1x128xf32, #tpu.memory_space<vmem>>, vector<16xf32>,
      tpu.vector_store %arg11[%parallel_loop3A_272, %parallel_loop3A_273, %parallel_loop3A_274], %parallel_loop3A_270 {strides = array<i32>} : memref<200x1x128xf32, #tpu.memory_space<vmem>>, vector<16xf32>,
    } {sc.loop_unroll_factor = 1 : i64, sc.parallel_access}
    %add3A_69 = arith.constant 128 : i32
    %add3A_70 = arith.addi %mul3A_2, %add3A_69 : i32
    %jit3A_71 = arith.constant 128 : i32
    %div3A_72 = arith.divsi %add3A_70, %jit3A_71 : i32
    %sign3A_73 = arith.constant 0 : i32
    %sign3A_74 = arith.cmpi sgt, %add3A_70, %sign3A_73 : i32
    %sign3A_75 = arith.extui %sign3A_74 : i1 to i32
    %sign3A_76 = arith.constant 0 : i32
    %sign3A_77 = arith.cmpi slt, %add3A_70, %sign3A_76 : i32
    %sign3A_78 = arith.extui %sign3A_77 : i1 to i32
    %sign3A_79 = arith.subi %sign3A_75, %sign3A_78 : i32
    %sign3A_80 = arith.constant 0 : i32
    %sign3A_81 = arith.cmpi sgt, %jit3A_71, %sign3A_80 : i32
    %sign3A_82 = arith.extui %sign3A_81 : i1 to i32
    %sign3A_83 = arith.constant 0 : i32
    %sign3A_84 = arith.cmpi slt, %jit3A_71, %sign3A_83 : i32
    %sign3A_85 = arith.extui %sign3A_84 : i1 to i32
    %sign3A_86 = arith.subi %sign3A_82, %sign3A_85 : i32
    %ne3A_87 = arith.cmpi ne, %sign3A_79, %sign3A_86 : i32
    %rem3A_88 = arith.remsi %add3A_70, %jit3A_71 : i32
    %ne3A_89 = arith.constant 0 : i32
    %ne3A_90 = arith.cmpi ne, %rem3A_88, %ne3A_89 : i32
    %and3A_91 = arith.andi %ne3A_87, %ne3A_90 : i1
    %sub3A_92 = arith.constant 1 : i32
    %sub3A_93 = arith.subi %div3A_72, %sub3A_92 : i32
    %select_n3A_94 = arith.select %and3A_91, %sub3A_93, %div3A_72 : i32
    %dma_start3A_95 = arith.constant 0 : i32
    %dma_start3A_96 = arith.constant 0 : i32
    %dma_start3A_97 = tpu.memref_slice %arg4[%dma_start3A_95, %select_n3A_94, %dma_start3A_96] : memref<200x128x128xf32, #tpu.memory_space<hbm>> -> memref<200x1x128xf32, #tpu.memory_space<hbm>>
    %dma_start3A_98 = arith.constant 0 : i32
    %dma_start3A_99 = arith.constant 0 : i32
    %dma_start3A_100 = tpu.memref_slice %arg4[%dma_start3A_98, %select_n3A_94, %dma_start3A_99] : memref<200x128x128xf32, #tpu.memory_space<hbm>> -> memref<200x1x128xf32, #tpu.memory_space<hbm>>
    tpu.enqueue_dma source(%arg11 : memref<200x1x128xf32, #tpu.memory_space<vmem>>) target(%dma_start3A_100 : memref<200x1x128xf32, #tpu.memory_space<hbm>>) target_semaphore(%arg16 : memref<!tpu.dma_semaphore, #tpu.memory_space<semaphore_mem>>)
    %dma_wait3A_101 = arith.constant 0 : i32
    %dma_wait3A_102 = tpu.memref_slice %arg2[%dma_wait3A_101, %add3A_21] : memref<200x16384xi32, #tpu.memory_space<hbm>> -> memref<200x128xi32, #tpu.memory_space<hbm>>
    %dma_wait3A_103 = arith.constant 0 : i32
    %dma_wait3A_104 = tpu.memref_slice %arg2[%dma_wait3A_103, %add3A_21] : memref<200x16384xi32, #tpu.memory_space<hbm>> -> memref<200x128xi32, #tpu.memory_space<hbm>>
    tpu.wait_dma2 semaphore(%arg14 : memref<!tpu.dma_semaphore, #tpu.memory_space<semaphore_mem>>) src(%dma_wait3A_104 : memref<200x128xi32, #tpu.memory_space<hbm>>) dst(%arg9 : memref<200x128xi32, #tpu.memory_space<vmem>>)
    %dma_wait3A_105 = arith.constant 0 : i32
    %dma_wait3A_106 = arith.constant 0 : i32
    %dma_wait3A_107 = tpu.memref_slice %arg4[%dma_wait3A_105, %select_n3A, %dma_wait3A_106] : memref<200x128x128xf32, #tpu.memory_space<hbm>> -> memref<200x1x128xf32, #tpu.memory_space<hbm>>
    %dma_wait3A_108 = arith.constant 0 : i32
    %dma_wait3A_109 = arith.constant 0 : i32
    %dma_wait3A_110 = tpu.memref_slice %arg4[%dma_wait3A_108, %select_n3A, %dma_wait3A_109] : memref<200x128x128xf32, #tpu.memory_space<hbm>> -> memref<200x1x128xf32, #tpu.memory_space<hbm>>
    tpu.wait_dma2 semaphore(%arg15 : memref<!tpu.dma_semaphore, #tpu.memory_space<semaphore_mem>>) src(%arg10 : memref<200x1x128xf32, #tpu.memory_space<vmem>>) dst(%dma_wait3A_110 : memref<200x1x128xf32, #tpu.memory_space<hbm>>)
    %parallel_loop3A_111 = arith.constant 0 : i32
    %parallel_loop3A_112 = arith.constant 200 : i32
    %parallel_loop3A_113 = arith.constant 1 : i32
    scf.for %parallel_loop3A_203 = %parallel_loop3A_111 to %parallel_loop3A_112 step %parallel_loop3A_113  : i32 {
      %parallel_loop3A_204 = arith.index_cast %parallel_loop3A_203 : i32 to index
      %parallel_loop3A_205 = arith.constant 0 : index
      %parallel_loop3A_206 = tpu.vector_load %arg9[%parallel_loop3A_204, %parallel_loop3A_205] {strides = array<i32>} : memref<200x128xi32, #tpu.memory_space<vmem>>, vector<16xi32>,
      %parallel_loop3A_207 = tpu.vector_load_idx %arg6[%parallel_loop3A_206] : memref<16xf32, #tpu.memory_space<vmem>>[vector<16xi32>], vector<16xf32>,
      %parallel_loop3A_208 = arith.constant 0 : i32
      %parallel_loop3A_209 = arith.index_cast %parallel_loop3A_203 : i32 to index
      %parallel_loop3A_210 = arith.index_cast %parallel_loop3A_208 : i32 to index
      %parallel_loop3A_211 = arith.constant 0 : index
      %parallel_loop3A_212 = tpu.vector_load %arg10[%parallel_loop3A_209, %parallel_loop3A_210, %parallel_loop3A_211] {strides = array<i32>} : memref<200x1x128xf32, #tpu.memory_space<vmem>>, vector<16xf32>,
      tpu.vector_store %arg10[%parallel_loop3A_209, %parallel_loop3A_210, %parallel_loop3A_211], %parallel_loop3A_207 {strides = array<i32>} : memref<200x1x128xf32, #tpu.memory_space<vmem>>, vector<16xf32>,
      %parallel_loop3A_213 = arith.index_cast %parallel_loop3A_203 : i32 to index
      %parallel_loop3A_214 = arith.constant 16 : index
      %parallel_loop3A_215 = tpu.vector_load %arg9[%parallel_loop3A_213, %parallel_loop3A_214] {strides = array<i32>} : memref<200x128xi32, #tpu.memory_space<vmem>>, vector<16xi32>,
      %parallel_loop3A_216 = tpu.vector_load_idx %arg6[%parallel_loop3A_215] : memref<16xf32, #tpu.memory_space<vmem>>[vector<16xi32>], vector<16xf32>,
      %parallel_loop3A_217 = arith.constant 0 : i32
      %parallel_loop3A_218 = arith.index_cast %parallel_loop3A_203 : i32 to index
      %parallel_loop3A_219 = arith.index_cast %parallel_loop3A_217 : i32 to index
      %parallel_loop3A_220 = arith.constant 16 : index
      %parallel_loop3A_221 = tpu.vector_load %arg10[%parallel_loop3A_218, %parallel_loop3A_219, %parallel_loop3A_220] {strides = array<i32>} : memref<200x1x128xf32, #tpu.memory_space<vmem>>, vector<16xf32>,
      tpu.vector_store %arg10[%parallel_loop3A_218, %parallel_loop3A_219, %parallel_loop3A_220], %parallel_loop3A_216 {strides = array<i32>} : memref<200x1x128xf32, #tpu.memory_space<vmem>>, vector<16xf32>,
      %parallel_loop3A_222 = arith.index_cast %parallel_loop3A_203 : i32 to index
      %parallel_loop3A_223 = arith.constant 32 : index
      %parallel_loop3A_224 = tpu.vector_load %arg9[%parallel_loop3A_222, %parallel_loop3A_223] {strides = array<i32>} : memref<200x128xi32, #tpu.memory_space<vmem>>, vector<16xi32>,
      %parallel_loop3A_225 = tpu.vector_load_idx %arg6[%parallel_loop3A_224] : memref<16xf32, #tpu.memory_space<vmem>>[vector<16xi32>], vector<16xf32>,
      %parallel_loop3A_226 = arith.constant 0 : i32
      %parallel_loop3A_227 = arith.index_cast %parallel_loop3A_203 : i32 to index
      %parallel_loop3A_228 = arith.index_cast %parallel_loop3A_226 : i32 to index
      %parallel_loop3A_229 = arith.constant 32 : index
      %parallel_loop3A_230 = tpu.vector_load %arg10[%parallel_loop3A_227, %parallel_loop3A_228, %parallel_loop3A_229] {strides = array<i32>} : memref<200x1x128xf32, #tpu.memory_space<vmem>>, vector<16xf32>,
      tpu.vector_store %arg10[%parallel_loop3A_227, %parallel_loop3A_228, %parallel_loop3A_229], %parallel_loop3A_225 {strides = array<i32>} : memref<200x1x128xf32, #tpu.memory_space<vmem>>, vector<16xf32>,
      %parallel_loop3A_231 = arith.index_cast %parallel_loop3A_203 : i32 to index
      %parallel_loop3A_232 = arith.constant 48 : index
      %parallel_loop3A_233 = tpu.vector_load %arg9[%parallel_loop3A_231, %parallel_loop3A_232] {strides = array<i32>} : memref<200x128xi32, #tpu.memory_space<vmem>>, vector<16xi32>,
      %parallel_loop3A_234 = tpu.vector_load_idx %arg6[%parallel_loop3A_233] : memref<16xf32, #tpu.memory_space<vmem>>[vector<16xi32>], vector<16xf32>,
      %parallel_loop3A_235 = arith.constant 0 : i32
      %parallel_loop3A_236 = arith.index_cast %parallel_loop3A_203 : i32 to index
      %parallel_loop3A_237 = arith.index_cast %parallel_loop3A_235 : i32 to index
      %parallel_loop3A_238 = arith.constant 48 : index
      %parallel_loop3A_239 = tpu.vector_load %arg10[%parallel_loop3A_236, %parallel_loop3A_237, %parallel_loop3A_238] {strides = array<i32>} : memref<200x1x128xf32, #tpu.memory_space<vmem>>, vector<16xf32>,
      tpu.vector_store %arg10[%parallel_loop3A_236, %parallel_loop3A_237, %parallel_loop3A_238], %parallel_loop3A_234 {strides = array<i32>} : memref<200x1x128xf32, #tpu.memory_space<vmem>>, vector<16xf32>,
      %parallel_loop3A_240 = arith.index_cast %parallel_loop3A_203 : i32 to index
      %parallel_loop3A_241 = arith.constant 64 : index
      %parallel_loop3A_242 = tpu.vector_load %arg9[%parallel_loop3A_240, %parallel_loop3A_241] {strides = array<i32>} : memref<200x128xi32, #tpu.memory_space<vmem>>, vector<16xi32>,
      %parallel_loop3A_243 = tpu.vector_load_idx %arg6[%parallel_loop3A_242] : memref<16xf32, #tpu.memory_space<vmem>>[vector<16xi32>], vector<16xf32>,
      %parallel_loop3A_244 = arith.constant 0 : i32
      %parallel_loop3A_245 = arith.index_cast %parallel_loop3A_203 : i32 to index
      %parallel_loop3A_246 = arith.index_cast %parallel_loop3A_244 : i32 to index
      %parallel_loop3A_247 = arith.constant 64 : index
      %parallel_loop3A_248 = tpu.vector_load %arg10[%parallel_loop3A_245, %parallel_loop3A_246, %parallel_loop3A_247] {strides = array<i32>} : memref<200x1x128xf32, #tpu.memory_space<vmem>>, vector<16xf32>,
      tpu.vector_store %arg10[%parallel_loop3A_245, %parallel_loop3A_246, %parallel_loop3A_247], %parallel_loop3A_243 {strides = array<i32>} : memref<200x1x128xf32, #tpu.memory_space<vmem>>, vector<16xf32>,
      %parallel_loop3A_249 = arith.index_cast %parallel_loop3A_203 : i32 to index
      %parallel_loop3A_250 = arith.constant 80 : index
      %parallel_loop3A_251 = tpu.vector_load %arg9[%parallel_loop3A_249, %parallel_loop3A_250] {strides = array<i32>} : memref<200x128xi32, #tpu.memory_space<vmem>>, vector<16xi32>,
      %parallel_loop3A_252 = tpu.vector_load_idx %arg6[%parallel_loop3A_251] : memref<16xf32, #tpu.memory_space<vmem>>[vector<16xi32>], vector<16xf32>,
      %parallel_loop3A_253 = arith.constant 0 : i32
      %parallel_loop3A_254 = arith.index_cast %parallel_loop3A_203 : i32 to index
      %parallel_loop3A_255 = arith.index_cast %parallel_loop3A_253 : i32 to index
      %parallel_loop3A_256 = arith.constant 80 : index
      %parallel_loop3A_257 = tpu.vector_load %arg10[%parallel_loop3A_254, %parallel_loop3A_255, %parallel_loop3A_256] {strides = array<i32>} : memref<200x1x128xf32, #tpu.memory_space<vmem>>, vector<16xf32>,
      tpu.vector_store %arg10[%parallel_loop3A_254, %parallel_loop3A_255, %parallel_loop3A_256], %parallel_loop3A_252 {strides = array<i32>} : memref<200x1x128xf32, #tpu.memory_space<vmem>>, vector<16xf32>,
      %parallel_loop3A_258 = arith.index_cast %parallel_loop3A_203 : i32 to index
      %parallel_loop3A_259 = arith.constant 96 : index
      %parallel_loop3A_260 = tpu.vector_load %arg9[%parallel_loop3A_258, %parallel_loop3A_259] {strides = array<i32>} : memref<200x128xi32, #tpu.memory_space<vmem>>, vector<16xi32>,
      %parallel_loop3A_261 = tpu.vector_load_idx %arg6[%parallel_loop3A_260] : memref<16xf32, #tpu.memory_space<vmem>>[vector<16xi32>], vector<16xf32>,
      %parallel_loop3A_262 = arith.constant 0 : i32
      %parallel_loop3A_263 = arith.index_cast %parallel_loop3A_203 : i32 to index
      %parallel_loop3A_264 = arith.index_cast %parallel_loop3A_262 : i32 to index
      %parallel_loop3A_265 = arith.constant 96 : index
      %parallel_loop3A_266 = tpu.vector_load %arg10[%parallel_loop3A_263, %parallel_loop3A_264, %parallel_loop3A_265] {strides = array<i32>} : memref<200x1x128xf32, #tpu.memory_space<vmem>>, vector<16xf32>,
      tpu.vector_store %arg10[%parallel_loop3A_263, %parallel_loop3A_264, %parallel_loop3A_265], %parallel_loop3A_261 {strides = array<i32>} : memref<200x1x128xf32, #tpu.memory_space<vmem>>, vector<16xf32>,
      %parallel_loop3A_267 = arith.index_cast %parallel_loop3A_203 : i32 to index
      %parallel_loop3A_268 = arith.constant 112 : index
      %parallel_loop3A_269 = tpu.vector_load %arg9[%parallel_loop3A_267, %parallel_loop3A_268] {strides = array<i32>} : memref<200x128xi32, #tpu.memory_space<vmem>>, vector<16xi32>,
      %parallel_loop3A_270 = tpu.vector_load_idx %arg6[%parallel_loop3A_269] : memref<16xf32, #tpu.memory_space<vmem>>[vector<16xi32>], vector<16xf32>,
      %parallel_loop3A_271 = arith.constant 0 : i32
      %parallel_loop3A_272 = arith.index_cast %parallel_loop3A_203 : i32 to index
      %parallel_loop3A_273 = arith.index_cast %parallel_loop3A_271 : i32 to index
      %parallel_loop3A_274 = arith.constant 112 : index
      %parallel_loop3A_275 = tpu.vector_load %arg10[%parallel_loop3A_272, %parallel_loop3A_273, %parallel_loop3A_274] {strides = array<i32>} : memref<200x1x128xf32, #tpu.memory_space<vmem>>, vector<16xf32>,
      tpu.vector_store %arg10[%parallel_loop3A_272, %parallel_loop3A_273, %parallel_loop3A_274], %parallel_loop3A_270 {strides = array<i32>} : memref<200x1x128xf32, #tpu.memory_space<vmem>>, vector<16xf32>,
    } {sc.loop_unroll_factor = 1 : i64, sc.parallel_access}
    %add3A_114 = arith.constant 256 : i32
    %add3A_115 = arith.addi %mul3A_2, %add3A_114 : i32
    %jit3A_116 = arith.constant 128 : i32
    %div3A_117 = arith.divsi %add3A_115, %jit3A_116 : i32
    %sign3A_118 = arith.constant 0 : i32
    %sign3A_119 = arith.cmpi sgt, %add3A_115, %sign3A_118 : i32
    %sign3A_120 = arith.extui %sign3A_119 : i1 to i32
    %sign3A_121 = arith.constant 0 : i32
    %sign3A_122 = arith.cmpi slt, %add3A_115, %sign3A_121 : i32
    %sign3A_123 = arith.extui %sign3A_122 : i1 to i32
    %sign3A_124 = arith.subi %sign3A_120, %sign3A_123 : i32
    %sign3A_125 = arith.constant 0 : i32
    %sign3A_126 = arith.cmpi sgt, %jit3A_116, %sign3A_125 : i32
    %sign3A_127 = arith.extui %sign3A_126 : i1 to i32
    %sign3A_128 = arith.constant 0 : i32
    %sign3A_129 = arith.cmpi slt, %jit3A_116, %sign3A_128 : i32
    %sign3A_130 = arith.extui %sign3A_129 : i1 to i32
    %sign3A_131 = arith.subi %sign3A_127, %sign3A_130 : i32
    %ne3A_132 = arith.cmpi ne, %sign3A_124, %sign3A_131 : i32
    %rem3A_133 = arith.remsi %add3A_115, %jit3A_116 : i32
    %ne3A_134 = arith.constant 0 : i32
    %ne3A_135 = arith.cmpi ne, %rem3A_133, %ne3A_134 : i32
    %and3A_136 = arith.andi %ne3A_132, %ne3A_135 : i1
    %sub3A_137 = arith.constant 1 : i32
    %sub3A_138 = arith.subi %div3A_117, %sub3A_137 : i32
    %select_n3A_139 = arith.select %and3A_136, %sub3A_138, %div3A_117 : i32
    %dma_start3A_140 = arith.constant 0 : i32
    %dma_start3A_141 = arith.constant 0 : i32
    %dma_start3A_142 = tpu.memref_slice %arg4[%dma_start3A_140, %select_n3A_139, %dma_start3A_141] : memref<200x128x128xf32, #tpu.memory_space<hbm>> -> memref<200x1x128xf32, #tpu.memory_space<hbm>>
    %dma_start3A_143 = arith.constant 0 : i32
    %dma_start3A_144 = arith.constant 0 : i32
    %dma_start3A_145 = tpu.memref_slice %arg4[%dma_start3A_143, %select_n3A_139, %dma_start3A_144] : memref<200x128x128xf32, #tpu.memory_space<hbm>> -> memref<200x1x128xf32, #tpu.memory_space<hbm>>
    tpu.enqueue_dma source(%arg10 : memref<200x1x128xf32, #tpu.memory_space<vmem>>) target(%dma_start3A_145 : memref<200x1x128xf32, #tpu.memory_space<hbm>>) target_semaphore(%arg15 : memref<!tpu.dma_semaphore, #tpu.memory_space<semaphore_mem>>)
    %dma_wait3A_146 = arith.constant 0 : i32
    %dma_wait3A_147 = tpu.memref_slice %arg2[%dma_wait3A_146, %add3A_57] : memref<200x16384xi32, #tpu.memory_space<hbm>> -> memref<200x128xi32, #tpu.memory_space<hbm>>
    %dma_wait3A_148 = arith.constant 0 : i32
    %dma_wait3A_149 = tpu.memref_slice %arg2[%dma_wait3A_148, %add3A_57] : memref<200x16384xi32, #tpu.memory_space<hbm>> -> memref<200x128xi32, #tpu.memory_space<hbm>>
    tpu.wait_dma2 semaphore(%arg12 : memref<!tpu.dma_semaphore, #tpu.memory_space<semaphore_mem>>) src(%dma_wait3A_149 : memref<200x128xi32, #tpu.memory_space<hbm>>) dst(%arg7 : memref<200x128xi32, #tpu.memory_space<vmem>>)
    %dma_wait3A_150 = arith.constant 0 : i32
    %dma_wait3A_151 = arith.constant 0 : i32
    %dma_wait3A_152 = tpu.memref_slice %arg4[%dma_wait3A_150, %select_n3A_94, %dma_wait3A_151] : memref<200x128x128xf32, #tpu.memory_space<hbm>> -> memref<200x1x128xf32, #tpu.memory_space<hbm>>
    %dma_wait3A_153 = arith.constant 0 : i32
    %dma_wait3A_154 = arith.constant 0 : i32
    %dma_wait3A_155 = tpu.memref_slice %arg4[%dma_wait3A_153, %select_n3A_94, %dma_wait3A_154] : memref<200x128x128xf32, #tpu.memory_space<hbm>> -> memref<200x1x128xf32, #tpu.memory_space<hbm>>
    tpu.wait_dma2 semaphore(%arg16 : memref<!tpu.dma_semaphore, #tpu.memory_space<semaphore_mem>>) src(%arg11 : memref<200x1x128xf32, #tpu.memory_space<vmem>>) dst(%dma_wait3A_155 : memref<200x1x128xf32, #tpu.memory_space<hbm>>)
    %parallel_loop3A_156 = arith.constant 0 : i32
    %parallel_loop3A_157 = arith.constant 200 : i32
    %parallel_loop3A_158 = arith.constant 1 : i32
    scf.for %parallel_loop3A_203 = %parallel_loop3A_156 to %parallel_loop3A_157 step %parallel_loop3A_158  : i32 {
      %parallel_loop3A_204 = arith.index_cast %parallel_loop3A_203 : i32 to index
      %parallel_loop3A_205 = arith.constant 0 : index
      %parallel_loop3A_206 = tpu.vector_load %arg7[%parallel_loop3A_204, %parallel_loop3A_205] {strides = array<i32>} : memref<200x128xi32, #tpu.memory_space<vmem>>, vector<16xi32>,
      %parallel_loop3A_207 = tpu.vector_load_idx %arg6[%parallel_loop3A_206] : memref<16xf32, #tpu.memory_space<vmem>>[vector<16xi32>], vector<16xf32>,
      %parallel_loop3A_208 = arith.constant 0 : i32
      %parallel_loop3A_209 = arith.index_cast %parallel_loop3A_203 : i32 to index
      %parallel_loop3A_210 = arith.index_cast %parallel_loop3A_208 : i32 to index
      %parallel_loop3A_211 = arith.constant 0 : index
      %parallel_loop3A_212 = tpu.vector_load %arg11[%parallel_loop3A_209, %parallel_loop3A_210, %parallel_loop3A_211] {strides = array<i32>} : memref<200x1x128xf32, #tpu.memory_space<vmem>>, vector<16xf32>,
      tpu.vector_store %arg11[%parallel_loop3A_209, %parallel_loop3A_210, %parallel_loop3A_211], %parallel_loop3A_207 {strides = array<i32>} : memref<200x1x128xf32, #tpu.memory_space<vmem>>, vector<16xf32>,
      %parallel_loop3A_213 = arith.index_cast %parallel_loop3A_203 : i32 to index
      %parallel_loop3A_214 = arith.constant 16 : index
      %parallel_loop3A_215 = tpu.vector_load %arg7[%parallel_loop3A_213, %parallel_loop3A_214] {strides = array<i32>} : memref<200x128xi32, #tpu.memory_space<vmem>>, vector<16xi32>,
      %parallel_loop3A_216 = tpu.vector_load_idx %arg6[%parallel_loop3A_215] : memref<16xf32, #tpu.memory_space<vmem>>[vector<16xi32>], vector<16xf32>,
      %parallel_loop3A_217 = arith.constant 0 : i32
      %parallel_loop3A_218 = arith.index_cast %parallel_loop3A_203 : i32 to index
      %parallel_loop3A_219 = arith.index_cast %parallel_loop3A_217 : i32 to index
      %parallel_loop3A_220 = arith.constant 16 : index
      %parallel_loop3A_221 = tpu.vector_load %arg11[%parallel_loop3A_218, %parallel_loop3A_219, %parallel_loop3A_220] {strides = array<i32>} : memref<200x1x128xf32, #tpu.memory_space<vmem>>, vector<16xf32>,
      tpu.vector_store %arg11[%parallel_loop3A_218, %parallel_loop3A_219, %parallel_loop3A_220], %parallel_loop3A_216 {strides = array<i32>} : memref<200x1x128xf32, #tpu.memory_space<vmem>>, vector<16xf32>,
      %parallel_loop3A_222 = arith.index_cast %parallel_loop3A_203 : i32 to index
      %parallel_loop3A_223 = arith.constant 32 : index
      %parallel_loop3A_224 = tpu.vector_load %arg7[%parallel_loop3A_222, %parallel_loop3A_223] {strides = array<i32>} : memref<200x128xi32, #tpu.memory_space<vmem>>, vector<16xi32>,
      %parallel_loop3A_225 = tpu.vector_load_idx %arg6[%parallel_loop3A_224] : memref<16xf32, #tpu.memory_space<vmem>>[vector<16xi32>], vector<16xf32>,
      %parallel_loop3A_226 = arith.constant 0 : i32
      %parallel_loop3A_227 = arith.index_cast %parallel_loop3A_203 : i32 to index
      %parallel_loop3A_228 = arith.index_cast %parallel_loop3A_226 : i32 to index
      %parallel_loop3A_229 = arith.constant 32 : index
      %parallel_loop3A_230 = tpu.vector_load %arg11[%parallel_loop3A_227, %parallel_loop3A_228, %parallel_loop3A_229] {strides = array<i32>} : memref<200x1x128xf32, #tpu.memory_space<vmem>>, vector<16xf32>,
      tpu.vector_store %arg11[%parallel_loop3A_227, %parallel_loop3A_228, %parallel_loop3A_229], %parallel_loop3A_225 {strides = array<i32>} : memref<200x1x128xf32, #tpu.memory_space<vmem>>, vector<16xf32>,
      %parallel_loop3A_231 = arith.index_cast %parallel_loop3A_203 : i32 to index
      %parallel_loop3A_232 = arith.constant 48 : index
      %parallel_loop3A_233 = tpu.vector_load %arg7[%parallel_loop3A_231, %parallel_loop3A_232] {strides = array<i32>} : memref<200x128xi32, #tpu.memory_space<vmem>>, vector<16xi32>,
      %parallel_loop3A_234 = tpu.vector_load_idx %arg6[%parallel_loop3A_233] : memref<16xf32, #tpu.memory_space<vmem>>[vector<16xi32>], vector<16xf32>,
      %parallel_loop3A_235 = arith.constant 0 : i32
      %parallel_loop3A_236 = arith.index_cast %parallel_loop3A_203 : i32 to index
      %parallel_loop3A_237 = arith.index_cast %parallel_loop3A_235 : i32 to index
      %parallel_loop3A_238 = arith.constant 48 : index
      %parallel_loop3A_239 = tpu.vector_load %arg11[%parallel_loop3A_236, %parallel_loop3A_237, %parallel_loop3A_238] {strides = array<i32>} : memref<200x1x128xf32, #tpu.memory_space<vmem>>, vector<16xf32>,
      tpu.vector_store %arg11[%parallel_loop3A_236, %parallel_loop3A_237, %parallel_loop3A_238], %parallel_loop3A_234 {strides = array<i32>} : memref<200x1x128xf32, #tpu.memory_space<vmem>>, vector<16xf32>,
      %parallel_loop3A_240 = arith.index_cast %parallel_loop3A_203 : i32 to index
      %parallel_loop3A_241 = arith.constant 64 : index
      %parallel_loop3A_242 = tpu.vector_load %arg7[%parallel_loop3A_240, %parallel_loop3A_241] {strides = array<i32>} : memref<200x128xi32, #tpu.memory_space<vmem>>, vector<16xi32>,
      %parallel_loop3A_243 = tpu.vector_load_idx %arg6[%parallel_loop3A_242] : memref<16xf32, #tpu.memory_space<vmem>>[vector<16xi32>], vector<16xf32>,
      %parallel_loop3A_244 = arith.constant 0 : i32
      %parallel_loop3A_245 = arith.index_cast %parallel_loop3A_203 : i32 to index
      %parallel_loop3A_246 = arith.index_cast %parallel_loop3A_244 : i32 to index
      %parallel_loop3A_247 = arith.constant 64 : index
      %parallel_loop3A_248 = tpu.vector_load %arg11[%parallel_loop3A_245, %parallel_loop3A_246, %parallel_loop3A_247] {strides = array<i32>} : memref<200x1x128xf32, #tpu.memory_space<vmem>>, vector<16xf32>,
      tpu.vector_store %arg11[%parallel_loop3A_245, %parallel_loop3A_246, %parallel_loop3A_247], %parallel_loop3A_243 {strides = array<i32>} : memref<200x1x128xf32, #tpu.memory_space<vmem>>, vector<16xf32>,
      %parallel_loop3A_249 = arith.index_cast %parallel_loop3A_203 : i32 to index
      %parallel_loop3A_250 = arith.constant 80 : index
      %parallel_loop3A_251 = tpu.vector_load %arg7[%parallel_loop3A_249, %parallel_loop3A_250] {strides = array<i32>} : memref<200x128xi32, #tpu.memory_space<vmem>>, vector<16xi32>,
      %parallel_loop3A_252 = tpu.vector_load_idx %arg6[%parallel_loop3A_251] : memref<16xf32, #tpu.memory_space<vmem>>[vector<16xi32>], vector<16xf32>,
      %parallel_loop3A_253 = arith.constant 0 : i32
      %parallel_loop3A_254 = arith.index_cast %parallel_loop3A_203 : i32 to index
      %parallel_loop3A_255 = arith.index_cast %parallel_loop3A_253 : i32 to index
      %parallel_loop3A_256 = arith.constant 80 : index
      %parallel_loop3A_257 = tpu.vector_load %arg11[%parallel_loop3A_254, %parallel_loop3A_255, %parallel_loop3A_256] {strides = array<i32>} : memref<200x1x128xf32, #tpu.memory_space<vmem>>, vector<16xf32>,
      tpu.vector_store %arg11[%parallel_loop3A_254, %parallel_loop3A_255, %parallel_loop3A_256], %parallel_loop3A_252 {strides = array<i32>} : memref<200x1x128xf32, #tpu.memory_space<vmem>>, vector<16xf32>,
      %parallel_loop3A_258 = arith.index_cast %parallel_loop3A_203 : i32 to index
      %parallel_loop3A_259 = arith.constant 96 : index
      %parallel_loop3A_260 = tpu.vector_load %arg7[%parallel_loop3A_258, %parallel_loop3A_259] {strides = array<i32>} : memref<200x128xi32, #tpu.memory_space<vmem>>, vector<16xi32>,
      %parallel_loop3A_261 = tpu.vector_load_idx %arg6[%parallel_loop3A_260] : memref<16xf32, #tpu.memory_space<vmem>>[vector<16xi32>], vector<16xf32>,
      %parallel_loop3A_262 = arith.constant 0 : i32
      %parallel_loop3A_263 = arith.index_cast %parallel_loop3A_203 : i32 to index
      %parallel_loop3A_264 = arith.index_cast %parallel_loop3A_262 : i32 to index
      %parallel_loop3A_265 = arith.constant 96 : index
      %parallel_loop3A_266 = tpu.vector_load %arg11[%parallel_loop3A_263, %parallel_loop3A_264, %parallel_loop3A_265] {strides = array<i32>} : memref<200x1x128xf32, #tpu.memory_space<vmem>>, vector<16xf32>,
      tpu.vector_store %arg11[%parallel_loop3A_263, %parallel_loop3A_264, %parallel_loop3A_265], %parallel_loop3A_261 {strides = array<i32>} : memref<200x1x128xf32, #tpu.memory_space<vmem>>, vector<16xf32>,
      %parallel_loop3A_267 = arith.index_cast %parallel_loop3A_203 : i32 to index
      %parallel_loop3A_268 = arith.constant 112 : index
      %parallel_loop3A_269 = tpu.vector_load %arg7[%parallel_loop3A_267, %parallel_loop3A_268] {strides = array<i32>} : memref<200x128xi32, #tpu.memory_space<vmem>>, vector<16xi32>,
      %parallel_loop3A_270 = tpu.vector_load_idx %arg6[%parallel_loop3A_269] : memref<16xf32, #tpu.memory_space<vmem>>[vector<16xi32>], vector<16xf32>,
      %parallel_loop3A_271 = arith.constant 0 : i32
      %parallel_loop3A_272 = arith.index_cast %parallel_loop3A_203 : i32 to index
      %parallel_loop3A_273 = arith.index_cast %parallel_loop3A_271 : i32 to index
      %parallel_loop3A_274 = arith.constant 112 : index
      %parallel_loop3A_275 = tpu.vector_load %arg11[%parallel_loop3A_272, %parallel_loop3A_273, %parallel_loop3A_274] {strides = array<i32>} : memref<200x1x128xf32, #tpu.memory_space<vmem>>, vector<16xf32>,
      tpu.vector_store %arg11[%parallel_loop3A_272, %parallel_loop3A_273, %parallel_loop3A_274], %parallel_loop3A_270 {strides = array<i32>} : memref<200x1x128xf32, #tpu.memory_space<vmem>>, vector<16xf32>,
    } {sc.loop_unroll_factor = 1 : i64, sc.parallel_access}
    %add3A_159 = arith.constant 384 : i32
    %add3A_160 = arith.addi %mul3A_2, %add3A_159 : i32
    %jit3A_161 = arith.constant 128 : i32
    %div3A_162 = arith.divsi %add3A_160, %jit3A_161 : i32
    %sign3A_163 = arith.constant 0 : i32
    %sign3A_164 = arith.cmpi sgt, %add3A_160, %sign3A_163 : i32
    %sign3A_165 = arith.extui %sign3A_164 : i1 to i32
    %sign3A_166 = arith.constant 0 : i32
    %sign3A_167 = arith.cmpi slt, %add3A_160, %sign3A_166 : i32
    %sign3A_168 = arith.extui %sign3A_167 : i1 to i32
    %sign3A_169 = arith.subi %sign3A_165, %sign3A_168 : i32
    %sign3A_170 = arith.constant 0 : i32
    %sign3A_171 = arith.cmpi sgt, %jit3A_161, %sign3A_170 : i32
    %sign3A_172 = arith.extui %sign3A_171 : i1 to i32
    %sign3A_173 = arith.constant 0 : i32
    %sign3A_174 = arith.cmpi slt, %jit3A_161, %sign3A_173 : i32
    %sign3A_175 = arith.extui %sign3A_174 : i1 to i32
    %sign3A_176 = arith.subi %sign3A_172, %sign3A_175 : i32
    %ne3A_177 = arith.cmpi ne, %sign3A_169, %sign3A_176 : i32
    %rem3A_178 = arith.remsi %add3A_160, %jit3A_161 : i32
    %ne3A_179 = arith.constant 0 : i32
    %ne3A_180 = arith.cmpi ne, %rem3A_178, %ne3A_179 : i32
    %and3A_181 = arith.andi %ne3A_177, %ne3A_180 : i1
    %sub3A_182 = arith.constant 1 : i32
    %sub3A_183 = arith.subi %div3A_162, %sub3A_182 : i32
    %select_n3A_184 = arith.select %and3A_181, %sub3A_183, %div3A_162 : i32
    %dma_start3A_185 = arith.constant 0 : i32
    %dma_start3A_186 = arith.constant 0 : i32
    %dma_start3A_187 = tpu.memref_slice %arg4[%dma_start3A_185, %select_n3A_184, %dma_start3A_186] : memref<200x128x128xf32, #tpu.memory_space<hbm>> -> memref<200x1x128xf32, #tpu.memory_space<hbm>>
    %dma_start3A_188 = arith.constant 0 : i32
    %dma_start3A_189 = arith.constant 0 : i32
    %dma_start3A_190 = tpu.memref_slice %arg4[%dma_start3A_188, %select_n3A_184, %dma_start3A_189] : memref<200x128x128xf32, #tpu.memory_space<hbm>> -> memref<200x1x128xf32, #tpu.memory_space<hbm>>
    tpu.enqueue_dma source(%arg11 : memref<200x1x128xf32, #tpu.memory_space<vmem>>) target(%dma_start3A_190 : memref<200x1x128xf32, #tpu.memory_space<hbm>>) target_semaphore(%arg16 : memref<!tpu.dma_semaphore, #tpu.memory_space<semaphore_mem>>)
    %dma_wait3A_191 = arith.constant 0 : i32
    %dma_wait3A_192 = arith.constant 0 : i32
    %dma_wait3A_193 = tpu.memref_slice %arg4[%dma_wait3A_191, %select_n3A_184, %dma_wait3A_192] : memref<200x128x128xf32, #tpu.memory_space<hbm>> -> memref<200x1x128xf32, #tpu.memory_space<hbm>>
    %dma_wait3A_194 = arith.constant 0 : i32
    %dma_wait3A_195 = arith.constant 0 : i32
    %dma_wait3A_196 = tpu.memref_slice %arg4[%dma_wait3A_194, %select_n3A_184, %dma_wait3A_195] : memref<200x128x128xf32, #tpu.memory_space<hbm>> -> memref<200x1x128xf32, #tpu.memory_space<hbm>>
    tpu.wait_dma2 semaphore(%arg16 : memref<!tpu.dma_semaphore, #tpu.memory_space<semaphore_mem>>) src(%arg11 : memref<200x1x128xf32, #tpu.memory_space<vmem>>) dst(%dma_wait3A_196 : memref<200x1x128xf32, #tpu.memory_space<hbm>>)
    %dma_wait3A_197 = arith.constant 0 : i32
    %dma_wait3A_198 = arith.constant 0 : i32
    %dma_wait3A_199 = tpu.memref_slice %arg4[%dma_wait3A_197, %select_n3A_139, %dma_wait3A_198] : memref<200x128x128xf32, #tpu.memory_space<hbm>> -> memref<200x1x128xf32, #tpu.memory_space<hbm>>
    %dma_wait3A_200 = arith.constant 0 : i32
    %dma_wait3A_201 = arith.constant 0 : i32
    %dma_wait3A_202 = tpu.memref_slice %arg4[%dma_wait3A_200, %select_n3A_139, %dma_wait3A_201] : memref<200x128x128xf32, #tpu.memory_space<hbm>> -> memref<200x1x128xf32, #tpu.memory_space<hbm>>
    tpu.wait_dma2 semaphore(%arg15 : memref<!tpu.dma_semaphore, #tpu.memory_space<semaphore_mem>>) src(%arg10 : memref<200x1x128xf32, #tpu.memory_space<vmem>>) dst(%dma_wait3A_202 : memref<200x1x128xf32, #tpu.memory_space<hbm>>)
    return
  }
}

module attributes {stable_mosaic.version = 14 : i64} {
  func.func @_add_body(%arg0: i32, %arg1: memref<200x1024xf32, #tpu.memory_space<vmem>>, %arg2: memref<200x1024xf32, #tpu.memory_space<vmem>>) attributes {dimension_semantics = [#tpu.dimension_semantics<arbitrary>], iteration_bounds = array<i64: 16>, scalar_prefetch = 0 : i64, scratch_operands = 0 : i64, tpu.core_type = #tpu.core_type<tc>, window_params = [{transform_indices = @transform_0, window_bounds = array<i64: 200, 1024>}, {transform_indices = @transform_1, window_bounds = array<i64: 200, 1024>}]} {
    %get3A = arith.constant 0 : index
    %get3A_0 = arith.constant 0 : index
    %get3A_1 = vector.load %arg1[%get3A, %get3A_0] : memref<200x1024xf32, #tpu.memory_space<vmem>>, vector<200x1024xf32>
    %add3A = arith.constant 2.000000e+02 : f32
    %add3A_2 = vector.broadcast %add3A : f32 to vector<200x1024xf32>
    %add3A_3 = arith.addf %get3A_1, %add3A_2 : vector<200x1024xf32>
    %swap3A = arith.constant 0 : index
    %swap3A_4 = arith.constant 0 : index
    %swap3A_5 = vector.load %arg2[%swap3A, %swap3A_4] : memref<200x1024xf32, #tpu.memory_space<vmem>>, vector<200x1024xf32>
    tpu.vector_store %arg2[%swap3A, %swap3A_4], %add3A_3 {strides = array<i32>} : memref<200x1024xf32, #tpu.memory_space<vmem>>, vector<200x1024xf32>,
    return
  }
  func.func @transform_0(%arg0: i32) -> (i32, i32) {
    %c0_i32 = arith.constant 0 : i32
    %c0_i32_0 = arith.constant 0 : i32
    return %c0_i32, %arg0 : i32, i32
  }
  func.func @transform_1(%arg0: i32) -> (i32, i32) {
    %c0_i32 = arith.constant 0 : i32
    %c0_i32_0 = arith.constant 0 : i32
    return %c0_i32, %arg0 : i32, i32
  }
}

</mosaic_0001>

<sc_bundles>
// kernel: kernel.4.cloned.1.call-start
scs
__scs_entry_jumppad:
0x0: {  	(pc) =	sbr.rel $0x88, $3  }
0x1: {  	(tag) =	ssettag $0x0;
	lr =	simm.s32 $0x1  }
0x2: {  	[smem:$0x3F9E] =	sst lr;
	_ =	strace $0xD0000000  }
0x3: {  	_ = 	snop  }
0x4: {  	_ = 	snop  }
0x5: {  	_ = 	snop  }
0x6: {  	_ = 	snop  }
0x7: {  	_ = 	snop  }
__scs_overlays_trampoline_lowered:
0x8: {  	[smem:$0x3FAD] =	sst s0  }
0x9: {  	[smem:$0x3FAE] =	sst s1  }
0xa: {  	[smem:$0x3FAF] =	sst s2  }
0xb: {  	[smem:$0x3FB0] =	sst s3  }
0xc: {  	[smem:$0x3FB1] =	sst s4  }
0xd: {  	[smem:$0x3FB2] =	sst s5  }
0xe: {  	[smem:$0x3FB3] =	sst s6  }
0xf: {  	[smem:$0x3FB4] =	sst s7  }
0x10: {  	[smem:$0x3FB5] =	sst s8  }
0x11: {  	[smem:$0x3FB6] =	sst s9;
	s0 =	simm.s32 @!p0 $0x0  }
0x12: {  	s1 =	sld [smem:$0x3F9C];
	s0 =	simm.s32 @p0 $0x1  }
0x13: {  	[smem:$0x3FB7] =	sst s0;
	s0 =	simm.s32 @!p1 $0x0  }
0x14: {  	s2 =	sld [smem:$0x3F9B];
	s0 =	simm.s32 @p1 $0x1  }
0x15: {  	[smem:$0x3FB8] =	sst s0;
	s0 =	simm.s32 @!p2 $0x0  }
0x16: {  	s3 =	sld [smem:$0x3FDB];
	s0 =	simm.s32 @p2 $0x1  }
0x17: {  	s4 =	simm.s32 $0x1BF5;
	[smem:$0x3FBA] =	sst s0  }
0x18: {  	s0 =	sld [smem:$0x3F9D];
	_ =	swait.ge [sflag:s4], $0x0  }
0x19: {  	s7 =	sld [smem:$0x3F9E]  }
0x1a: {  	s8 =	sadd.s32 $0xFFFFE003, lr  }
0x1b: {  	s9 =	sadd.s32 $0xFFFFFEF7, lr;
	s5 =	simm.s32 $0xFFFFFFFF;
	p2 =	slt.u32 s8, $0xFFFFF086  }
0x1c: {  	p1 =	slt.u32 s9, $0xF7A;
	s5 =	simm.s32 @!p2 $0x0  }
0x1d: {  	s5 =	simm.s32 @p1 $0x1;
	p0 =	seq.s32 s7, s2  }
0x1e: {  	s7 =	smul.u32 @!p0 $0xF7A, s2;
	p2 =	seq.s32 @!p0 s5, $0x0  }
0x1f: {  	s9 =	smul.u32 $0xF7A, s1;
	s8 =	simm.s32 @!p0 $0x1BF5;
	p2 =	por !p2, p0  }
0x20: {  	[sflag:s8] =	ssyncset.s32 @!p0 $0xFFFFF086;
	s6 =	sadd.s32 @!p0 s3, s7;
	s7 =	simm.s32 @!p0 $0x108  }
0x21: {  	s3 =	sadd.s32 s3, s9;
	s6 =	sadd.s32 @!p0 $0x88, s6;
	s7 =	simm.s32 @p2 $0x1082  }
0x22: {  	[simem:s7], [sflag:s8] =	dma.local @!p0 [hbm:s6], $0xF7A  }
0x23: {  	s9 =	sor.u32 $0xD0000000, s2;
	s6 =	simm.s32 $0x108;
	_ =	swait.ge @!p0 [sflag:s8], $0x0  }
0x24: {  	s3 =	sadd.s32 $0x88, s3;
	s6 =	simm.s32 @!p1 $0x1082;
	[sflag:s4] =	ssyncset.s32 $0xFFFFF086  }
0x25: {  	[simem:s6], [sflag:s4] =	dma.local [hbm:s3], $0xF7A  }
0x26: {  	[smem:$0x3F9E] =	sst s1;
	(tag) =	ssettag s2;
	_ =	strace s9  }
0x27: {  	s1 =	sld [smem:$0x3FAE]  }
0x28: {  	s2 =	sld [smem:$0x3FAF]  }
0x29: {  	s4 =	sld [smem:$0x3FB1]  }
0x2a: {  	p0 =	seq.s32 s5, $0x0;
	s5 =	sld [smem:$0x3FB2]  }
0x2b: {  	s6 =	sld [smem:$0x3FB3]  }
0x2c: {  	s7 =	sld [smem:$0x3FB4]  }
0x2d: {  	s3 =	simm.s32 $0x108;
	s8 =	sld [smem:$0x3FB5]  }
0x2e: {  	s3 =	simm.s32 @!p0 $0x1082;
	s9 =	sld [smem:$0x3FB6]  }
0x2f: {  	lr =	sadd.s32 s0, s3;
	s0 =	sld [smem:$0x3FAD]  }
0x30: {  	s3 =	sld [smem:$0x3FB0]  }
0x31: {  	[smem:$0x3FB9] =	sst s10  }
0x32: {  	s10 =	sld [smem:$0x3FB7];
	_ =	sdelay $0x3  }
0x33: {  	p0 =	seq.s32 s10, $0x1;
	s10 =	sld [smem:$0x3FB9];
	_ =	sdelay $0x3  }
0x34: {  	[smem:$0x3FB9] =	sst s10  }
0x35: {  	s10 =	sld [smem:$0x3FB8];
	_ =	sdelay $0x3  }
0x36: {  	p1 =	seq.s32 s10, $0x1;
	s10 =	sld [smem:$0x3FB9];
	_ =	sdelay $0x3  }
0x37: {  	[smem:$0x3FB9] =	sst s10  }
0x38: {  	s10 =	sld [smem:$0x3FBA]  }
0x39: {  	_ = 	snop;
	(pc) =	sbr.ind lr, $3  }
0x3a: {  	_ = 	snop  }
0x3b: {  	_ = 	snop  }
0x3c: {  	p2 =	seq.s32 s10, $0x1;
	s10 =	sld [smem:$0x3FB9]  }
0x3d: {  	_ =	shalt  }
0x3e: {  	_ =	shalt  }
0x3f: {  	_ =	shalt  }
0x40: {  	_ =	shalt  }
0x41: {  	_ =	shalt  }
0x42: {  	_ =	shalt  }
0x43: {  	_ =	shalt  }
0x44: {  	_ =	shalt  }
0x45: {  	_ =	shalt  }
0x46: {  	_ =	shalt  }
0x47: {  	_ =	shalt  }
0x48: {  	_ =	shalt  }
0x49: {  	_ =	shalt  }
0x4a: {  	_ =	shalt  }
0x4b: {  	_ =	shalt  }
0x4c: {  	_ =	shalt  }
0x4d: {  	_ =	shalt  }
0x4e: {  	_ =	shalt  }
0x4f: {  	_ =	shalt  }
0x50: {  	_ =	shalt  }
0x51: {  	_ =	shalt  }
0x52: {  	_ =	shalt  }
0x53: {  	_ =	shalt  }
0x54: {  	_ =	shalt  }
0x55: {  	_ =	shalt  }
0x56: {  	_ =	shalt  }
0x57: {  	_ =	shalt  }
0x58: {  	_ =	shalt  }
0x59: {  	_ =	shalt  }
0x5a: {  	_ =	shalt  }
0x5b: {  	_ =	shalt  }
0x5c: {  	_ =	shalt  }
0x5d: {  	_ =	shalt  }
0x5e: {  	_ =	shalt  }
0x5f: {  	_ =	shalt  }
0x60: {  	_ =	shalt  }
0x61: {  	_ =	shalt  }
0x62: {  	_ =	shalt  }
0x63: {  	_ =	shalt  }
0x64: {  	_ =	shalt  }
0x65: {  	_ =	shalt  }
0x66: {  	_ =	shalt  }
0x67: {  	_ =	shalt  }
0x68: {  	_ =	shalt  }
0x69: {  	_ =	shalt  }
0x6a: {  	_ =	shalt  }
0x6b: {  	_ =	shalt  }
0x6c: {  	_ =	shalt  }
0x6d: {  	_ =	shalt  }
0x6e: {  	_ =	shalt  }
0x6f: {  	_ =	shalt  }
0x70: {  	_ =	shalt  }
0x71: {  	_ =	shalt  }
0x72: {  	_ =	shalt  }
0x73: {  	_ =	shalt  }
0x74: {  	_ =	shalt  }
0x75: {  	_ =	shalt  }
0x76: {  	_ =	shalt  }
0x77: {  	_ =	shalt  }
0x78: {  	_ =	shalt  }
0x79: {  	_ =	shalt  }
0x7a: {  	_ =	shalt  }
0x7b: {  	_ =	shalt  }
0x7c: {  	_ =	shalt  }
0x7d: {  	_ =	shalt  }
0x7e: {  	_ =	shalt  }
0x7f: {  	_ =	shalt  }
0x80: {  	_ =	shalt  }
0x81: {  	_ =	shalt  }
0x82: {  	_ =	shalt  }
0x83: {  	_ =	shalt  }
0x84: {  	_ =	shalt  }
0x85: {  	_ =	shalt  }
0x86: {  	_ =	shalt  }
0x87: {  	_ =	shalt  }
.Lfunc_end0:
.L_simem_size_0:
called_computation_lowered:
.L_overlay_start_0:
0x88: {  	s2 =	sld [smem:$0x3FD9]  }
0x89: {  	s3 =	sld [smem:$0x3FFE];
	_ =	sdelay $0x1  }
0x8a: {  	s1 =	srdreg.scid  }
0x8b: {  	s0 =	sand.u32 $0x1, s1  }
0x8c: {  	s14 =	sshll.u32 s0, $0xA;
	s2 =	sadd.s32 s3, s2  }
0x8d: {  	s2 =	sadd.s32 s2, s14  }
0x8e: {  	[smem:$0x3FC5] =	sst s2  }
0x8f: {  	_ = 	snop  }
0x90: {  	s2 =	sld [smem:$0x3FD0];
	_ =	sdelay $0x2  }
0x91: {  	s4 =	simm.s32 $0xA;
	s5 =	simm.s32 $0x10;
	s15 =	sld [smem:$0x3FC9]  }
0x92: {  	[smem:s5], [sflag:s4] =	dma.local [hbm:s2], $0x1  }
0x93: {  	_ =	swait.eq [sflag:s4], $0x1  }
0x94: {  	[sflag:s4] =	ssyncset.done $0x0  }
0x95: {  	[sflag:s4] =	ssyncadd.s32 $0xFFFFFFFF  }
0x96: {  	s16 =	sld [smem:$0x10];
	(tm) =	ssettm $0x1  }
0x97: {  	s17 =	sld [smem:$0x3FFB];
	_ =	sdelay $0x3  }
0x98: {  	_ =	strace s17  }
0x99: {  	s4 =	sld [smem:$0x3FFC];
	_ =	sdelay $0x3  }
0x9a: {  	_ =	strace s4  }
0x9b: {  	s4 =	sld [smem:$0x3FFD];
	_ =	sdelay $0x3  }
0x9c: {  	_ =	strace s4  }
0x9d: {  	_ =	strace $0x8FFFFFFF  }
0x9e: {  	s18 =	sld [smem:$0x3FDB];
	_ =	sdelay $0x1  }
0x9f: {  	s19 =	simm.s32 $_scs_section_size  }
0xa0: {  	s6 =	simm.s32 $_size__tile_overlayer_lowered;
	s7 =	simm.s32 $_tile_overlayer_lowered  }
0xa1: {  	s22 =	simm.s32 $0x1BFF;
	s21 =	sshll.u32 s7, $0x1;
	s4 =	sadd.s32 s19, s18  }
0xa2: {  	s8 =	simm.s32 $0x0;
	s20 =	sshll.u32 s6, $0x1;
	s6 =	sadd.s32 s21, s4  }
0xa3: {  	[timem:s8], [sflag:s22] =	dma.local [hbm:s6], s20  }
0xa4: {  	_ =	swait.ge [sflag:s22], s20  }
0xa5: {  	s5 =	ssub.s32 $0x0, s20;
	[sflag:s22] =	ssyncset.done $0x0  }
0xa6: {  	[sflag:s22] =	ssyncadd.s32 s5;
	_ =	sdelay $0x1  }
0xa7: {  	s23 =	simm.s32 $0x1B8B  }
0xa8: {  	_ =	swait.ge [sflag:s23], $0x1  }
0xa9: {  	[sflag:s23] =	ssyncset.done $0x0  }
0xaa: {  	s25 =	simm.s32 $0x1B8E;
	s24 =	sld [smem:$0x3FFE];
	[sflag:s23] =	ssyncadd.s32 $0xFFFFFFFF  }
0xab: {  	s26 =	simm.s32 $execute0_lowered;
	[smem:$0x3FD2] =	sst s25  }
0xac: {  	s6 =	sshll.u32 s26, $0x1;
	_ =	strace $0x80000046;
	[dreg:$0x1] =	wrdreg $0xFFFFFFFF  }
0xad: {  	s28 =	simm.s32 $_size_execute0_lowered;
	s4 =	sadd.s32 s4, s6;
	[dreg:$0x0] =	wrdreg $0x0  }
0xae: {  	s6 =	sshll.u32 s28, $0x1;
	[dreg:$0x2] =	wrdreg s4  }
0xaf: {  	[dreg:$0x3] =	wrdreg s6  }
0xb0: {  	[dreg:$0x4] =	wrdreg $0xC0  }
0xb1: {  	_ =	task [dreg:s8], $0x5FFFF  }
0xb2: {  	[dreg:$0x1] =	wrdreg $0xFFFFFFFF  }
0xb3: {  	[dreg:$0x0] =	wrdreg $0x60  }
0xb4: {  	[dreg:$0x2] =	wrdreg s15  }
0xb5: {  	[dreg:$0x3] =	wrdreg s24  }
0xb6: {  	[dreg:$0x4] =	wrdreg s16  }
0xb7: {  	[dreg:$0x5] =	wrdreg $0x9  }
0xb8: {  	_ =	task.clear_ibuf [dreg:s8], $0x6FFFF;
	_ =	strace $0x90000046  }
0xb9: {  	s29 =	simm.s32 $0x9;
	_ =	strace $0x80000048  }
0xba: {  	_ =	swait.ge [sflag:s29], $0x1  }
0xbb: {  	[sflag:s29] =	ssyncadd.s32 $0xFFFFFFFF  }
0xbc: {  	_ =	strace $0x90000048  }
0xbd: {  	_ =	sfence  }
0xbe: {  	s30 =	sld [smem:$0x0];
	_ =	sdelay $0x2  }
0xbf: {  	s31 =	sshll.u32 s1, $0xD;
	s1 =	sshrl.u32 s1, $0x2  }
0xc0: {  	s3 =	sand.u32 $0x4000, s31;
	s1 =	sadd.s32 s1, s30  }
0xc1: {  	s0 =	sor.u32 s3, s0;
	s1 =	sshll.u32 s1, $0x11  }
0xc2: {  	s0 =	sor.u32 s1, s0  }
0xc3: {  	s0 =	sadd.s32 $0x8F2B, s0  }
0xc4: {  	[sflag:s0] =	ssyncadd.remote.s32 $0x1  }
0xc5: {  	_ =	sfence.sel $0xFFFF  }
0xc6: {  	[dreg:$0x0] =	wrdreg $0xFFFFFFFF;
	(pc) =	sbr.abs _section_cstart, $3  }
0xc7: {  	[dreg:$0x1] =	wrdreg $0xFFFFFFFF  }
0xc8: {  	_ =	task.clear_ibuf [dreg:s8], $0x2FFFF;
	_ =	strace $0x9FFFFFFF  }
0xc9: {  	(tm) =	ssettm $0x7FFFFFFF  }
tec
execute0_lowered:
.L_overlay_start_1:
0x0: {  	(tag) =	ssettag $0x1  }
0x1: {  	s0 =	rddreg [dreg:$0x0]  }
0x2: {  	s1 =	rddreg [dreg:$0x1]  }
0x3: {  	s11 =	rddreg [dreg:$0x2];
	s3 =	srdreg.scid;
	s4 =	simm.s32 $0x0  }
0x4: {  	s2 =	stileid.u32;
	s13 =	simm.s32 $0x6;
	s14 =	simm.s32 $0x400  }
0x5: {  	s15 =	simm.s32 $0x20000;
	s16 =	simm.s32 $0x280;
	s19 =	simm.s32 $0x1  }
0x6: {  	s20 =	simm.s32 $0x200;
	s21 =	simm.s32 $0x80;
	s22 =	simm.s32 $0x4000  }
0x7: {  	s23 =	simm.s32 $0x12E80;
	s24 =	simm.s32 $0x2;
	s28 =	simm.s32 $0x4  }
0x8: {  	s29 =	simm.s32 $0x5;
	s30 =	simm.s32 $0x0;
	s3 =	sand.u32 $0x1, s3  }
0x9: {  	[smem:$0x7FF] =	sst s4;
	s25 =	sshll.u32 s2, $0xA;
	s5 =	sshll.u32 s3, $0x9  }
0xa: {  	_ =	strace $0x80000047;
	s6 =	ssub.s32 $0x2, s3;
	s3 =	sadd.s32 $0x600, s1  }
0xb: {  	s7 =	sor.u32 s5, s25;
	s26 =	sshrl.u32 s6, $0x1;
	s25 =	simm.s32 $0x19280  }
0xc: {  	s9 =	sor.u32 $0x80, s7;
	s1 =	ssub.s32 s6, s26;
	s4 =	sadd.s32 s0, s7  }
0xd: {  	s10 =	sor.u32 $0x100, s7;
	s8 =	sshrl.u32 s7, $0x3;
	s12 =	sor.u32 $0x180, s7  }
0xe: {  	s26 =	simm.s32 $0x3;
	s5 =	sadd.s32 s0, s9;
	s6 =	sadd.s32 s0, s10  }
0xf: {  	v0 =	vlaneseq.u32;
	s7 =	sadd.s32 s11, s8;
	s8 =	sadd.s32 s0, s12;
	s31 =	sshrl.u32 s9, $0x3  }
0x10: {  	v0 =	vand.u32 $0x3, v0;
	s10 =	sshrl.u32 s10, $0x3;
	s12 =	sshrl.u32 s12, $0x3;
	s9 =	sadd.s32 s11, s31  }
0x11: {  	v0 =	vmul.u32 $0x80, v0;
	s10 =	sadd.s32 s11, s10;
	s11 =	sadd.s32 s11, s12;
	s12 =	smax.u32 s1, $0x1  }
.LBB2_1:
0x12: {  	s0 =	simm.s32 $0x0  }
0x13: {  	[tilespmem:s0], [sflag:$0x6] =	stream.linear.gather [hbm4b:s3+s0], $0x200, $0x38;
	[tilespmem:$0x1F680] =	vst v63  }
0x14: {  	_ =	swait.ge [sflag:s13], $0x200  }
0x15: {  	[sflag:s13] =	ssyncset.done $0x0  }
0x16: {  	[sflag:s13] =	ssyncadd.s32 $0xFFFFFE00  }
0x17: {  	v1 =	vld.idx.msk [tilespmem:v0+s0+$0x0], $0xffff;
	_ =	sdelay $0x4  }
0x18: {  	[tilespmem:$0x200] =	vst v1  }
0x19: {  	[tilespmem:s16], [sflag:$0x1] =	stream.strided.gather [hbm4b:s4+s14], $0x6400, s15, s14, $0x38;
	[tilespmem:$0x1F680] =	vst v63  }
0x1a: {  	s17 =	simm.s32 $0x6680  }
0x1b: {  	[tilespmem:s17], [sflag:$0x2] =	stream.strided.gather [hbm4b:s5+s14], $0x6400, s15, s14, $0x38;
	[tilespmem:$0x1F680] =	vst v63  }
0x1c: {  	s18 =	simm.s32 $0xCA80  }
0x1d: {  	[tilespmem:s18], [sflag:$0x3] =	stream.strided.gather [hbm4b:s6+s14], $0x6400, s15, s14, $0x38;
	[tilespmem:$0x1F680] =	vst v63  }
0x1e: {  	_ =	swait.ge [sflag:s19], $0x6400  }
0x1f: {  	[sflag:s19] =	ssyncset.done $0x0  }
0x20: {  	s31 =	simm.s32 $0x0;
	[sflag:s19] =	ssyncadd.s32 $0xFFFF9C00  }
0x21: {  	v1 =	vld [tilespmem:s31+$0x280];
	_ =	sdelay $0x6  }
0x22: {  	v2 =	vld [tilespmem:s31+$0x290]  }
0x23: {  	v1 =	vld.idx.msk [tilespmem:v1+s20+$0x0], $0xffff;
	_ =	sdelay $0x1  }
0x24: {  	s0 =	simm.s32 $0x80  }
0x25: {  	v3 =	vld [tilespmem:s0+$0x280];
	_ =	sdelay $0x1  }
0x26: {  	[tilespmem:s31+$0x12E80] =	vst v1;
	v1 =	vld [tilespmem:s31+$0x2A0];
	_ =	sdelay $0x1  }
0x27: {  	v2 =	vld.idx.msk [tilespmem:v2+s20+$0x0], $0xffff;
	_ =	sdelay $0x2  }
0x28: {  	v4 =	vld [tilespmem:s0+$0x290]  }
0x29: {  	v3 =	vld.idx.msk [tilespmem:v3+s20+$0x0], $0xffff  }
0x2a: {  	[tilespmem:s31+$0x12E90] =	vst v2;
	v2 =	vld [tilespmem:s31+$0x2B0]  }
0x2b: {  	v1 =	vld.idx.msk [tilespmem:v1+s20+$0x0], $0xffff;
	_ =	sdelay $0x3  }
0x2c: {  	[tilespmem:s0+$0x12E80] =	vst v3;
	v3 =	vld [tilespmem:s0+$0x2A0]  }
0x2d: {  	[tilespmem:s31+$0x12EA0] =	vst v1;
	v1 =	vld [tilespmem:s31+$0x2C0]  }
0x2e: {  	v4 =	vld.idx.msk [tilespmem:v4+s20+$0x0], $0xffff  }
0x2f: {  	s1 =	simm.s32 $0x100;
	v2 =	vld.idx.msk [tilespmem:v2+s20+$0x0], $0xffff  }
0x30: {  	v5 =	vld [tilespmem:s1+$0x280];
	_ =	sdelay $0x2  }
0x31: {  	[tilespmem:s0+$0x12E90] =	vst v4;
	v4 =	vld [tilespmem:s0+$0x2B0]  }
0x32: {  	[tilespmem:s31+$0x12EB0] =	vst v2;
	v2 =	vld [tilespmem:s31+$0x2D0]  }
0x33: {  	v1 =	vld.idx.msk [tilespmem:v1+s20+$0x0], $0xffff  }
0x34: {  	v3 =	vld.idx.msk [tilespmem:v3+s20+$0x0], $0xffff  }
0x35: {  	v6 =	vld [tilespmem:s1+$0x290]  }
0x36: {  	v5 =	vld.idx.msk [tilespmem:v5+s20+$0x0], $0xffff;
	_ =	sdelay $0x1  }
0x37: {  	[tilespmem:s31+$0x12EC0] =	vst v1;
	v1 =	vld [tilespmem:s31+$0x2E0]  }
0x38: {  	[tilespmem:s0+$0x12EA0] =	vst v3;
	v3 =	vld [tilespmem:s0+$0x2C0]  }
0x39: {  	v2 =	vld.idx.msk [tilespmem:v2+s20+$0x0], $0xffff  }
0x3a: {  	[tilespmem:s1+$0x12E80] =	vst v5;
	v5 =	vld [tilespmem:s1+$0x2A0]  }
0x3b: {  	v4 =	vld.idx.msk [tilespmem:v4+s20+$0x0], $0xffff  }
0x3c: {  	s17 =	simm.s32 $0x180;
	s18 =	simm.s32 $0x800;
	v6 =	vld.idx.msk [tilespmem:v6+s20+$0x0], $0xffff  }
.LBB2_2:
0x3d: {  	p0 =	sne.s32 s18, $0x18E00;
	v7 =	vld [tilespmem:s17+$0x280];
	s2 =	smov.u32 s0;
	s0 =	smov.u32 s1  }
0x3e: {  	s1 =	smov.u32 s17;
	[tilespmem:s31+$0x12ED0] =	vst v2;
	v2 =	vld [tilespmem:s31+$0x2F0]  }
0x3f: {  	v1 =	vld.idx.msk [tilespmem:v1+s20+$0x0], $0xffff  }
0x40: {  	[tilespmem:s2+$0x12EB0] =	vst v4;
	v4 =	vld [tilespmem:s2+$0x2D0]  }
0x41: {  	v3 =	vld.idx.msk [tilespmem:v3+s20+$0x0], $0xffff  }
0x42: {  	[tilespmem:s0+$0x12E90] =	vst v6;
	v6 =	vld [tilespmem:s0+$0x2B0]  }
0x43: {  	v5 =	vld.idx.msk [tilespmem:v5+s20+$0x0], $0xffff  }
0x44: {  	v8 =	vld [tilespmem:s1+$0x290]  }
0x45: {  	v7 =	vld.idx.msk [tilespmem:v7+s20+$0x0], $0xffff;
	[tilespmem:s31+$0x12EE0] =	vst v1  }
0x46: {  	v9 =	vld.idx.msk [tilespmem:v2+s20+$0x0], $0xffff  }
0x47: {  	[tilespmem:s2+$0x12EC0] =	vst v3;
	v1 =	vld [tilespmem:s2+$0x2E0]  }
.Ltmp0:
0x48: {  	v2 =	vld.idx.msk [tilespmem:v4+s20+$0x0], $0xffff;
	(pc) =	sbr.rel @p0 .LBB2_2-.Ltmp0, $4  }
0x49: {  	[tilespmem:s0+$0x12EA0] =	vst v5;
	v3 =	vld [tilespmem:s0+$0x2C0]  }
0x4a: {  	v4 =	vld.idx.msk [tilespmem:v6+s20+$0x0], $0xffff  }
0x4b: {  	[tilespmem:s1+$0x12E80] =	vst v7;
	v5 =	vld [tilespmem:s1+$0x2A0]  }
0x4c: {  	s17 =	sshra.s32 s18, $0x2;
	s18 =	sadd.s32 $0x200, s18;
	v6 =	vld.idx.msk [tilespmem:v8+s20+$0x0], $0xffff;
	[tilespmem:s31+$0x12EF0] =	vst v9;
	s31 =	smov.u32 s2  }
0x4d: {  	v7 =	vld [tilespmem:s17+$0x280];
	_ =	sdelay $0x5  }
0x4e: {  	v8 =	vld [tilespmem:s17+$0x290];
	_ =	sdelay $0x1  }
0x4f: {  	v7 =	vld.idx.msk [tilespmem:v7+s20+$0x0], $0xffff;
	_ =	sdelay $0x4  }
0x50: {  	[tilespmem:s17+$0x12E80] =	vst v7;
	v7 =	vld [tilespmem:s17+$0x2A0]  }
0x51: {  	v8 =	vld.idx.msk [tilespmem:v8+s20+$0x0], $0xffff;
	_ =	sdelay $0x1  }
0x52: {  	[tilespmem:s1+$0x12E90] =	vst v6;
	v6 =	vld [tilespmem:s1+$0x2B0]  }
0x53: {  	v5 =	vld.idx.msk [tilespmem:v5+s20+$0x0], $0xffff;
	_ =	sdelay $0x1  }
0x54: {  	[tilespmem:s17+$0x12E90] =	vst v8;
	v8 =	vld [tilespmem:s17+$0x2B0];
	_ =	sdelay $0x1  }
0x55: {  	v7 =	vld.idx.msk [tilespmem:v7+s20+$0x0], $0xffff  }
0x56: {  	[tilespmem:s1+$0x12EA0] =	vst v5;
	v5 =	vld [tilespmem:s1+$0x2C0]  }
0x57: {  	[tilespmem:s0+$0x12EB0] =	vst v4;
	v4 =	vld [tilespmem:s0+$0x2D0]  }
0x58: {  	v6 =	vld.idx.msk [tilespmem:v6+s20+$0x0], $0xffff  }
0x59: {  	v3 =	vld.idx.msk [tilespmem:v3+s20+$0x0], $0xffff  }
0x5a: {  	[tilespmem:s17+$0x12EA0] =	vst v7;
	v7 =	vld [tilespmem:s17+$0x2C0]  }
0x5b: {  	v8 =	vld.idx.msk [tilespmem:v8+s20+$0x0], $0xffff;
	_ =	sdelay $0x1  }
0x5c: {  	[tilespmem:s1+$0x12EB0] =	vst v6;
	v6 =	vld [tilespmem:s1+$0x2D0]  }
0x5d: {  	v5 =	vld.idx.msk [tilespmem:v5+s20+$0x0], $0xffff  }
0x5e: {  	[tilespmem:s0+$0x12EC0] =	vst v3;
	v3 =	vld [tilespmem:s0+$0x2E0]  }
0x5f: {  	[tilespmem:s17+$0x12EB0] =	vst v8;
	v8 =	vld [tilespmem:s17+$0x2D0]  }
0x60: {  	v4 =	vld.idx.msk [tilespmem:v4+s20+$0x0], $0xffff  }
0x61: {  	v7 =	vld.idx.msk [tilespmem:v7+s20+$0x0], $0xffff  }
0x62: {  	[tilespmem:s1+$0x12EC0] =	vst v5;
	v5 =	vld [tilespmem:s1+$0x2E0];
	_ =	sdelay $0x1  }
0x63: {  	v6 =	vld.idx.msk [tilespmem:v6+s20+$0x0], $0xffff  }
0x64: {  	[tilespmem:s0+$0x12ED0] =	vst v4;
	v4 =	vld [tilespmem:s0+$0x2F0]  }
0x65: {  	[tilespmem:s17+$0x12EC0] =	vst v7;
	v7 =	vld [tilespmem:s17+$0x2E0]  }
0x66: {  	[tilespmem:s31+$0x12ED0] =	vst v2;
	v2 =	vld.idx.msk [tilespmem:v8+s20+$0x0], $0xffff  }
0x67: {  	v3 =	vld.idx.msk [tilespmem:v3+s20+$0x0], $0xffff  }
0x68: {  	[tilespmem:s1+$0x12ED0] =	vst v6;
	v6 =	vld [tilespmem:s1+$0x2F0]  }
0x69: {  	v5 =	vld.idx.msk [tilespmem:v5+s20+$0x0], $0xffff  }
0x6a: {  	v8 =	vld [tilespmem:s31+$0x2F0]  }
0x6b: {  	[tilespmem:s17+$0x12ED0] =	vst v2;
	v2 =	vld [tilespmem:s17+$0x2F0]  }
0x6c: {  	v1 =	vld.idx.msk [tilespmem:v1+s20+$0x0], $0xffff  }
0x6d: {  	v7 =	vld.idx.msk [tilespmem:v7+s20+$0x0], $0xffff;
	_ =	sdelay $0x1  }
0x6e: {  	[tilespmem:s0+$0x12EE0] =	vst v3  }
0x6f: {  	v3 =	vld.idx.msk [tilespmem:v4+s20+$0x0], $0xffff;
	[tilespmem:s1+$0x12EE0] =	vst v5  }
0x70: {  	[tilespmem:s31+$0x12EE0] =	vst v1;
	v4 =	vld.idx.msk [tilespmem:v6+s20+$0x0], $0xffff  }
0x71: {  	v1 =	vld.idx.msk [tilespmem:v8+s20+$0x0], $0xffff;
	[tilespmem:s17+$0x12EE0] =	vst v7  }
0x72: {  	v2 =	vld.idx.msk [tilespmem:v2+s20+$0x0], $0xffff;
	_ =	sdelay $0x1  }
0x73: {  	[tilespmem:s0+$0x12EF0] =	vst v3  }
0x74: {  	[tilespmem:s1+$0x12EF0] =	vst v4  }
0x75: {  	[tilespmem:s31+$0x12EF0] =	vst v1  }
0x76: {  	[tilespmem:s17+$0x12EF0] =	vst v2  }
0x77: {  	[hbm4b:s7+s21] =	stream.strided.scatter [tilespmem:s23], [sflag:$0x4], $0x6400, s22, s21, $0x38;
	[tilespmem:$0x1F680] =	vst v63  }
0x78: {  	_ = 	snop  }
0x79: {  	[tilespmem:s16], [sflag:$0x1] =	stream.strided.gather [hbm4b:s8+s14], $0x6400, s15, s14, $0x38;
	[tilespmem:$0x1F680] =	vst v63  }
0x7a: {  	_ =	swait.ge [sflag:s24], $0x6400  }
0x7b: {  	[sflag:s24] =	ssyncset.done $0x0  }
0x7c: {  	s31 =	simm.s32 $0x0;
	[sflag:s24] =	ssyncadd.s32 $0xFFFF9C00  }
0x7d: {  	v1 =	vld [tilespmem:s31+$0x6680];
	_ =	sdelay $0x6  }
0x7e: {  	v2 =	vld [tilespmem:s31+$0x6690]  }
0x7f: {  	v1 =	vld.idx.msk [tilespmem:v1+s20+$0x0], $0xffff;
	_ =	sdelay $0x1  }
0x80: {  	s0 =	simm.s32 $0x80  }
0x81: {  	v3 =	vld [tilespmem:s0+$0x6680];
	_ =	sdelay $0x1  }
0x82: {  	[tilespmem:s31+$0x19280] =	vst v1;
	v1 =	vld [tilespmem:s31+$0x66A0];
	_ =	sdelay $0x1  }
0x83: {  	v2 =	vld.idx.msk [tilespmem:v2+s20+$0x0], $0xffff;
	_ =	sdelay $0x2  }
0x84: {  	v4 =	vld [tilespmem:s0+$0x6690]  }
0x85: {  	v3 =	vld.idx.msk [tilespmem:v3+s20+$0x0], $0xffff  }
0x86: {  	[tilespmem:s31+$0x19290] =	vst v2;
	v2 =	vld [tilespmem:s31+$0x66B0]  }
0x87: {  	v1 =	vld.idx.msk [tilespmem:v1+s20+$0x0], $0xffff;
	_ =	sdelay $0x3  }
0x88: {  	[tilespmem:s0+$0x19280] =	vst v3;
	v3 =	vld [tilespmem:s0+$0x66A0]  }
0x89: {  	[tilespmem:s31+$0x192A0] =	vst v1;
	v1 =	vld [tilespmem:s31+$0x66C0]  }
0x8a: {  	v4 =	vld.idx.msk [tilespmem:v4+s20+$0x0], $0xffff  }
0x8b: {  	s1 =	simm.s32 $0x100;
	v2 =	vld.idx.msk [tilespmem:v2+s20+$0x0], $0xffff  }
0x8c: {  	v5 =	vld [tilespmem:s1+$0x6680];
	_ =	sdelay $0x2  }
0x8d: {  	[tilespmem:s0+$0x19290] =	vst v4;
	v4 =	vld [tilespmem:s0+$0x66B0]  }
0x8e: {  	[tilespmem:s31+$0x192B0] =	vst v2;
	v2 =	vld [tilespmem:s31+$0x66D0]  }
0x8f: {  	v1 =	vld.idx.msk [tilespmem:v1+s20+$0x0], $0xffff  }
0x90: {  	v3 =	vld.idx.msk [tilespmem:v3+s20+$0x0], $0xffff  }
0x91: {  	v6 =	vld [tilespmem:s1+$0x6690]  }
0x92: {  	v5 =	vld.idx.msk [tilespmem:v5+s20+$0x0], $0xffff;
	_ =	sdelay $0x1  }
0x93: {  	[tilespmem:s31+$0x192C0] =	vst v1;
	v1 =	vld [tilespmem:s31+$0x66E0]  }
0x94: {  	[tilespmem:s0+$0x192A0] =	vst v3;
	v3 =	vld [tilespmem:s0+$0x66C0]  }
0x95: {  	v2 =	vld.idx.msk [tilespmem:v2+s20+$0x0], $0xffff  }
0x96: {  	[tilespmem:s1+$0x19280] =	vst v5;
	v5 =	vld [tilespmem:s1+$0x66A0]  }
0x97: {  	v4 =	vld.idx.msk [tilespmem:v4+s20+$0x0], $0xffff  }
0x98: {  	s18 =	simm.s32 $0x800;
	s17 =	simm.s32 $0x180;
	v6 =	vld.idx.msk [tilespmem:v6+s20+$0x0], $0xffff  }
.LBB2_4:
0x99: {  	p0 =	sne.s32 s18, $0x18E00;
	v7 =	vld [tilespmem:s17+$0x6680];
	s2 =	smov.u32 s0;
	s0 =	smov.u32 s1  }
0x9a: {  	s1 =	smov.u32 s17;
	[tilespmem:s31+$0x192D0] =	vst v2;
	v2 =	vld [tilespmem:s31+$0x66F0]  }
0x9b: {  	v1 =	vld.idx.msk [tilespmem:v1+s20+$0x0], $0xffff  }
0x9c: {  	[tilespmem:s2+$0x192B0] =	vst v4;
	v4 =	vld [tilespmem:s2+$0x66D0]  }
0x9d: {  	v3 =	vld.idx.msk [tilespmem:v3+s20+$0x0], $0xffff  }
0x9e: {  	[tilespmem:s0+$0x19290] =	vst v6;
	v6 =	vld [tilespmem:s0+$0x66B0]  }
0x9f: {  	v5 =	vld.idx.msk [tilespmem:v5+s20+$0x0], $0xffff  }
0xa0: {  	v8 =	vld [tilespmem:s1+$0x6690]  }
0xa1: {  	v7 =	vld.idx.msk [tilespmem:v7+s20+$0x0], $0xffff;
	[tilespmem:s31+$0x192E0] =	vst v1  }
0xa2: {  	v9 =	vld.idx.msk [tilespmem:v2+s20+$0x0], $0xffff  }
0xa3: {  	[tilespmem:s2+$0x192C0] =	vst v3;
	v1 =	vld [tilespmem:s2+$0x66E0]  }
.Ltmp1:
0xa4: {  	v2 =	vld.idx.msk [tilespmem:v4+s20+$0x0], $0xffff;
	(pc) =	sbr.rel @p0 .LBB2_4-.Ltmp1, $4  }
0xa5: {  	[tilespmem:s0+$0x192A0] =	vst v5;
	v3 =	vld [tilespmem:s0+$0x66C0]  }
0xa6: {  	v4 =	vld.idx.msk [tilespmem:v6+s20+$0x0], $0xffff  }
0xa7: {  	[tilespmem:s1+$0x19280] =	vst v7;
	v5 =	vld [tilespmem:s1+$0x66A0]  }
0xa8: {  	s17 =	sshra.s32 s18, $0x2;
	s18 =	sadd.s32 $0x200, s18;
	v6 =	vld.idx.msk [tilespmem:v8+s20+$0x0], $0xffff;
	[tilespmem:s31+$0x192F0] =	vst v9;
	s31 =	smov.u32 s2  }
0xa9: {  	v7 =	vld [tilespmem:s17+$0x6680];
	_ =	sdelay $0x5  }
0xaa: {  	v8 =	vld [tilespmem:s17+$0x6690];
	_ =	sdelay $0x1  }
0xab: {  	v7 =	vld.idx.msk [tilespmem:v7+s20+$0x0], $0xffff;
	_ =	sdelay $0x4  }
0xac: {  	[tilespmem:s17+$0x19280] =	vst v7;
	v7 =	vld [tilespmem:s17+$0x66A0]  }
0xad: {  	v8 =	vld.idx.msk [tilespmem:v8+s20+$0x0], $0xffff;
	_ =	sdelay $0x1  }
0xae: {  	[tilespmem:s1+$0x19290] =	vst v6;
	v6 =	vld [tilespmem:s1+$0x66B0]  }
0xaf: {  	v5 =	vld.idx.msk [tilespmem:v5+s20+$0x0], $0xffff;
	_ =	sdelay $0x1  }
0xb0: {  	[tilespmem:s17+$0x19290] =	vst v8;
	v8 =	vld [tilespmem:s17+$0x66B0];
	_ =	sdelay $0x1  }
0xb1: {  	v7 =	vld.idx.msk [tilespmem:v7+s20+$0x0], $0xffff  }
0xb2: {  	[tilespmem:s1+$0x192A0] =	vst v5;
	v5 =	vld [tilespmem:s1+$0x66C0]  }
0xb3: {  	[tilespmem:s0+$0x192B0] =	vst v4;
	v4 =	vld [tilespmem:s0+$0x66D0]  }
0xb4: {  	v6 =	vld.idx.msk [tilespmem:v6+s20+$0x0], $0xffff  }
0xb5: {  	v3 =	vld.idx.msk [tilespmem:v3+s20+$0x0], $0xffff  }
0xb6: {  	[tilespmem:s17+$0x192A0] =	vst v7;
	v7 =	vld [tilespmem:s17+$0x66C0]  }
0xb7: {  	v8 =	vld.idx.msk [tilespmem:v8+s20+$0x0], $0xffff;
	_ =	sdelay $0x1  }
0xb8: {  	[tilespmem:s1+$0x192B0] =	vst v6;
	v6 =	vld [tilespmem:s1+$0x66D0]  }
0xb9: {  	v5 =	vld.idx.msk [tilespmem:v5+s20+$0x0], $0xffff  }
0xba: {  	[tilespmem:s0+$0x192C0] =	vst v3;
	v3 =	vld [tilespmem:s0+$0x66E0]  }
0xbb: {  	[tilespmem:s17+$0x192B0] =	vst v8;
	v8 =	vld [tilespmem:s17+$0x66D0]  }
0xbc: {  	v4 =	vld.idx.msk [tilespmem:v4+s20+$0x0], $0xffff  }
0xbd: {  	v7 =	vld.idx.msk [tilespmem:v7+s20+$0x0], $0xffff  }
0xbe: {  	[tilespmem:s1+$0x192C0] =	vst v5;
	v5 =	vld [tilespmem:s1+$0x66E0];
	_ =	sdelay $0x1  }
0xbf: {  	v6 =	vld.idx.msk [tilespmem:v6+s20+$0x0], $0xffff  }
0xc0: {  	[tilespmem:s0+$0x192D0] =	vst v4;
	v4 =	vld [tilespmem:s0+$0x66F0]  }
0xc1: {  	[tilespmem:s17+$0x192C0] =	vst v7;
	v7 =	vld [tilespmem:s17+$0x66E0]  }
0xc2: {  	[tilespmem:s31+$0x192D0] =	vst v2;
	v2 =	vld.idx.msk [tilespmem:v8+s20+$0x0], $0xffff  }
0xc3: {  	v3 =	vld.idx.msk [tilespmem:v3+s20+$0x0], $0xffff  }
0xc4: {  	[tilespmem:s1+$0x192D0] =	vst v6;
	v6 =	vld [tilespmem:s1+$0x66F0]  }
0xc5: {  	v5 =	vld.idx.msk [tilespmem:v5+s20+$0x0], $0xffff  }
0xc6: {  	v8 =	vld [tilespmem:s31+$0x66F0]  }
0xc7: {  	[tilespmem:s17+$0x192D0] =	vst v2;
	v2 =	vld [tilespmem:s17+$0x66F0]  }
0xc8: {  	v1 =	vld.idx.msk [tilespmem:v1+s20+$0x0], $0xffff  }
0xc9: {  	v7 =	vld.idx.msk [tilespmem:v7+s20+$0x0], $0xffff;
	_ =	sdelay $0x1  }
0xca: {  	[tilespmem:s0+$0x192E0] =	vst v3  }
0xcb: {  	v3 =	vld.idx.msk [tilespmem:v4+s20+$0x0], $0xffff;
	[tilespmem:s1+$0x192E0] =	vst v5  }
0xcc: {  	[tilespmem:s31+$0x192E0] =	vst v1;
	v4 =	vld.idx.msk [tilespmem:v6+s20+$0x0], $0xffff  }
0xcd: {  	v1 =	vld.idx.msk [tilespmem:v8+s20+$0x0], $0xffff;
	[tilespmem:s17+$0x192E0] =	vst v7  }
0xce: {  	v2 =	vld.idx.msk [tilespmem:v2+s20+$0x0], $0xffff;
	_ =	sdelay $0x1  }
0xcf: {  	[tilespmem:s0+$0x192F0] =	vst v3  }
0xd0: {  	[tilespmem:s1+$0x192F0] =	vst v4  }
0xd1: {  	[tilespmem:s31+$0x192F0] =	vst v1  }
0xd2: {  	[tilespmem:s17+$0x192F0] =	vst v2  }
0xd3: {  	[hbm4b:s9+s21] =	stream.strided.scatter [tilespmem:s25], [sflag:$0x5], $0x6400, s22, s21, $0x38;
	[tilespmem:$0x1F680] =	vst v63  }
0xd4: {  	_ =	swait.ge [sflag:s26], $0x6400  }
0xd5: {  	[sflag:s26] =	ssyncset.done $0x0  }
0xd6: {  	[sflag:s26] =	ssyncadd.s32 $0xFFFF9C00  }
0xd7: {  	_ =	swait.ge [sflag:s28], $0x6400  }
0xd8: {  	[sflag:s28] =	ssyncset.done $0x0  }
0xd9: {  	s31 =	simm.s32 $0x0;
	[sflag:s28] =	ssyncadd.s32 $0xFFFF9C00  }
0xda: {  	v1 =	vld [tilespmem:s31+$0xCA80];
	_ =	sdelay $0x6  }
0xdb: {  	v2 =	vld [tilespmem:s31+$0xCA90]  }
0xdc: {  	v1 =	vld.idx.msk [tilespmem:v1+s20+$0x0], $0xffff;
	_ =	sdelay $0x1  }
0xdd: {  	s0 =	simm.s32 $0x80  }
0xde: {  	v3 =	vld [tilespmem:s0+$0xCA80];
	_ =	sdelay $0x1  }
0xdf: {  	[tilespmem:s31+$0x12E80] =	vst v1;
	v1 =	vld [tilespmem:s31+$0xCAA0];
	_ =	sdelay $0x1  }
0xe0: {  	v2 =	vld.idx.msk [tilespmem:v2+s20+$0x0], $0xffff;
	_ =	sdelay $0x2  }
0xe1: {  	v4 =	vld [tilespmem:s0+$0xCA90]  }
0xe2: {  	v3 =	vld.idx.msk [tilespmem:v3+s20+$0x0], $0xffff  }
0xe3: {  	[tilespmem:s31+$0x12E90] =	vst v2;
	v2 =	vld [tilespmem:s31+$0xCAB0]  }
0xe4: {  	v1 =	vld.idx.msk [tilespmem:v1+s20+$0x0], $0xffff;
	_ =	sdelay $0x3  }
0xe5: {  	[tilespmem:s0+$0x12E80] =	vst v3;
	v3 =	vld [tilespmem:s0+$0xCAA0]  }
0xe6: {  	[tilespmem:s31+$0x12EA0] =	vst v1;
	v1 =	vld [tilespmem:s31+$0xCAC0]  }
0xe7: {  	v4 =	vld.idx.msk [tilespmem:v4+s20+$0x0], $0xffff  }
0xe8: {  	s1 =	simm.s32 $0x100;
	v2 =	vld.idx.msk [tilespmem:v2+s20+$0x0], $0xffff  }
0xe9: {  	v5 =	vld [tilespmem:s1+$0xCA80];
	_ =	sdelay $0x2  }
0xea: {  	[tilespmem:s0+$0x12E90] =	vst v4;
	v4 =	vld [tilespmem:s0+$0xCAB0]  }
0xeb: {  	[tilespmem:s31+$0x12EB0] =	vst v2;
	v2 =	vld [tilespmem:s31+$0xCAD0]  }
0xec: {  	v1 =	vld.idx.msk [tilespmem:v1+s20+$0x0], $0xffff  }
0xed: {  	v3 =	vld.idx.msk [tilespmem:v3+s20+$0x0], $0xffff  }
0xee: {  	v6 =	vld [tilespmem:s1+$0xCA90]  }
0xef: {  	v5 =	vld.idx.msk [tilespmem:v5+s20+$0x0], $0xffff;
	_ =	sdelay $0x1  }
0xf0: {  	[tilespmem:s31+$0x12EC0] =	vst v1;
	v1 =	vld [tilespmem:s31+$0xCAE0]  }
0xf1: {  	[tilespmem:s0+$0x12EA0] =	vst v3;
	v3 =	vld [tilespmem:s0+$0xCAC0]  }
0xf2: {  	v2 =	vld.idx.msk [tilespmem:v2+s20+$0x0], $0xffff  }
0xf3: {  	[tilespmem:s1+$0x12E80] =	vst v5;
	v5 =	vld [tilespmem:s1+$0xCAA0]  }
0xf4: {  	v4 =	vld.idx.msk [tilespmem:v4+s20+$0x0], $0xffff  }
0xf5: {  	s18 =	simm.s32 $0x800;
	s17 =	simm.s32 $0x180;
	v6 =	vld.idx.msk [tilespmem:v6+s20+$0x0], $0xffff  }
.LBB2_6:
0xf6: {  	p0 =	sne.s32 s18, $0x18E00;
	v7 =	vld [tilespmem:s17+$0xCA80];
	s2 =	smov.u32 s0;
	s0 =	smov.u32 s1  }
0xf7: {  	s1 =	smov.u32 s17;
	[tilespmem:s31+$0x12ED0] =	vst v2;
	v2 =	vld [tilespmem:s31+$0xCAF0]  }
0xf8: {  	v1 =	vld.idx.msk [tilespmem:v1+s20+$0x0], $0xffff  }
0xf9: {  	[tilespmem:s2+$0x12EB0] =	vst v4;
	v4 =	vld [tilespmem:s2+$0xCAD0]  }
0xfa: {  	v3 =	vld.idx.msk [tilespmem:v3+s20+$0x0], $0xffff  }
0xfb: {  	[tilespmem:s0+$0x12E90] =	vst v6;
	v6 =	vld [tilespmem:s0+$0xCAB0]  }
0xfc: {  	v5 =	vld.idx.msk [tilespmem:v5+s20+$0x0], $0xffff  }
0xfd: {  	v8 =	vld [tilespmem:s1+$0xCA90]  }
0xfe: {  	v7 =	vld.idx.msk [tilespmem:v7+s20+$0x0], $0xffff;
	[tilespmem:s31+$0x12EE0] =	vst v1  }
0xff: {  	v9 =	vld.idx.msk [tilespmem:v2+s20+$0x0], $0xffff  }
0x100: {  	[tilespmem:s2+$0x12EC0] =	vst v3;
	v1 =	vld [tilespmem:s2+$0xCAE0]  }
.Ltmp2:
0x101: {  	v2 =	vld.idx.msk [tilespmem:v4+s20+$0x0], $0xffff;
	(pc) =	sbr.rel @p0 .LBB2_6-.Ltmp2, $4  }
0x102: {  	[tilespmem:s0+$0x12EA0] =	vst v5;
	v3 =	vld [tilespmem:s0+$0xCAC0]  }
0x103: {  	v4 =	vld.idx.msk [tilespmem:v6+s20+$0x0], $0xffff  }
0x104: {  	[tilespmem:s1+$0x12E80] =	vst v7;
	v5 =	vld [tilespmem:s1+$0xCAA0]  }
0x105: {  	s17 =	sshra.s32 s18, $0x2;
	s18 =	sadd.s32 $0x200, s18;
	v6 =	vld.idx.msk [tilespmem:v8+s20+$0x0], $0xffff;
	[tilespmem:s31+$0x12EF0] =	vst v9;
	s31 =	smov.u32 s2  }
0x106: {  	v7 =	vld [tilespmem:s17+$0xCA80];
	_ =	sdelay $0x5  }
0x107: {  	v8 =	vld [tilespmem:s17+$0xCA90];
	_ =	sdelay $0x1  }
0x108: {  	v7 =	vld.idx.msk [tilespmem:v7+s20+$0x0], $0xffff;
	_ =	sdelay $0x4  }
0x109: {  	[tilespmem:s17+$0x12E80] =	vst v7;
	v7 =	vld [tilespmem:s17+$0xCAA0]  }
0x10a: {  	v8 =	vld.idx.msk [tilespmem:v8+s20+$0x0], $0xffff;
	_ =	sdelay $0x1  }
0x10b: {  	[tilespmem:s1+$0x12E90] =	vst v6;
	v6 =	vld [tilespmem:s1+$0xCAB0]  }
0x10c: {  	v5 =	vld.idx.msk [tilespmem:v5+s20+$0x0], $0xffff;
	_ =	sdelay $0x1  }
0x10d: {  	[tilespmem:s17+$0x12E90] =	vst v8;
	v8 =	vld [tilespmem:s17+$0xCAB0];
	_ =	sdelay $0x1  }
0x10e: {  	v7 =	vld.idx.msk [tilespmem:v7+s20+$0x0], $0xffff  }
0x10f: {  	[tilespmem:s1+$0x12EA0] =	vst v5;
	v5 =	vld [tilespmem:s1+$0xCAC0]  }
0x110: {  	[tilespmem:s0+$0x12EB0] =	vst v4;
	v4 =	vld [tilespmem:s0+$0xCAD0]  }
0x111: {  	v6 =	vld.idx.msk [tilespmem:v6+s20+$0x0], $0xffff  }
0x112: {  	v3 =	vld.idx.msk [tilespmem:v3+s20+$0x0], $0xffff  }
0x113: {  	[tilespmem:s17+$0x12EA0] =	vst v7;
	v7 =	vld [tilespmem:s17+$0xCAC0]  }
0x114: {  	v8 =	vld.idx.msk [tilespmem:v8+s20+$0x0], $0xffff;
	_ =	sdelay $0x1  }
0x115: {  	[tilespmem:s1+$0x12EB0] =	vst v6;
	v6 =	vld [tilespmem:s1+$0xCAD0]  }
0x116: {  	v5 =	vld.idx.msk [tilespmem:v5+s20+$0x0], $0xffff  }
0x117: {  	[tilespmem:s0+$0x12EC0] =	vst v3;
	v3 =	vld [tilespmem:s0+$0xCAE0]  }
0x118: {  	[tilespmem:s17+$0x12EB0] =	vst v8;
	v8 =	vld [tilespmem:s17+$0xCAD0]  }
0x119: {  	v4 =	vld.idx.msk [tilespmem:v4+s20+$0x0], $0xffff  }
0x11a: {  	v7 =	vld.idx.msk [tilespmem:v7+s20+$0x0], $0xffff  }
0x11b: {  	[tilespmem:s1+$0x12EC0] =	vst v5;
	v5 =	vld [tilespmem:s1+$0xCAE0];
	_ =	sdelay $0x1  }
0x11c: {  	v6 =	vld.idx.msk [tilespmem:v6+s20+$0x0], $0xffff  }
0x11d: {  	[tilespmem:s0+$0x12ED0] =	vst v4;
	v4 =	vld [tilespmem:s0+$0xCAF0]  }
0x11e: {  	[tilespmem:s17+$0x12EC0] =	vst v7;
	v7 =	vld [tilespmem:s17+$0xCAE0]  }
0x11f: {  	[tilespmem:s31+$0x12ED0] =	vst v2;
	v2 =	vld.idx.msk [tilespmem:v8+s20+$0x0], $0xffff  }
0x120: {  	v3 =	vld.idx.msk [tilespmem:v3+s20+$0x0], $0xffff  }
0x121: {  	[tilespmem:s1+$0x12ED0] =	vst v6;
	v6 =	vld [tilespmem:s1+$0xCAF0]  }
0x122: {  	v5 =	vld.idx.msk [tilespmem:v5+s20+$0x0], $0xffff  }
0x123: {  	v8 =	vld [tilespmem:s31+$0xCAF0]  }
0x124: {  	[tilespmem:s17+$0x12ED0] =	vst v2;
	v2 =	vld [tilespmem:s17+$0xCAF0]  }
0x125: {  	v1 =	vld.idx.msk [tilespmem:v1+s20+$0x0], $0xffff  }
0x126: {  	v7 =	vld.idx.msk [tilespmem:v7+s20+$0x0], $0xffff;
	_ =	sdelay $0x1  }
0x127: {  	[tilespmem:s0+$0x12EE0] =	vst v3  }
0x128: {  	v3 =	vld.idx.msk [tilespmem:v4+s20+$0x0], $0xffff;
	[tilespmem:s1+$0x12EE0] =	vst v5  }
0x129: {  	[tilespmem:s31+$0x12EE0] =	vst v1;
	v4 =	vld.idx.msk [tilespmem:v6+s20+$0x0], $0xffff  }
0x12a: {  	v1 =	vld.idx.msk [tilespmem:v8+s20+$0x0], $0xffff;
	[tilespmem:s17+$0x12EE0] =	vst v7  }
0x12b: {  	v2 =	vld.idx.msk [tilespmem:v2+s20+$0x0], $0xffff;
	_ =	sdelay $0x1  }
0x12c: {  	[tilespmem:s0+$0x12EF0] =	vst v3  }
0x12d: {  	[tilespmem:s1+$0x12EF0] =	vst v4  }
0x12e: {  	[tilespmem:s31+$0x12EF0] =	vst v1  }
0x12f: {  	[tilespmem:s17+$0x12EF0] =	vst v2  }
0x130: {  	[hbm4b:s10+s21] =	stream.strided.scatter [tilespmem:s23], [sflag:$0x4], $0x6400, s22, s21, $0x38;
	[tilespmem:$0x1F680] =	vst v63  }
0x131: {  	_ =	swait.ge [sflag:s19], $0x6400  }
0x132: {  	[sflag:s19] =	ssyncset.done $0x0  }
0x133: {  	[sflag:s19] =	ssyncadd.s32 $0xFFFF9C00  }
0x134: {  	_ =	swait.ge [sflag:s29], $0x6400  }
0x135: {  	[sflag:s29] =	ssyncset.done $0x0  }
0x136: {  	s31 =	simm.s32 $0x0;
	[sflag:s29] =	ssyncadd.s32 $0xFFFF9C00  }
0x137: {  	v1 =	vld [tilespmem:s31+$0x280];
	_ =	sdelay $0x6  }
0x138: {  	v2 =	vld [tilespmem:s31+$0x290]  }
0x139: {  	v1 =	vld.idx.msk [tilespmem:v1+s20+$0x0], $0xffff;
	_ =	sdelay $0x1  }
0x13a: {  	s0 =	simm.s32 $0x80  }
0x13b: {  	v3 =	vld [tilespmem:s0+$0x280];
	_ =	sdelay $0x1  }
0x13c: {  	[tilespmem:s31+$0x19280] =	vst v1;
	v1 =	vld [tilespmem:s31+$0x2A0];
	_ =	sdelay $0x1  }
0x13d: {  	v2 =	vld.idx.msk [tilespmem:v2+s20+$0x0], $0xffff;
	_ =	sdelay $0x2  }
0x13e: {  	v4 =	vld [tilespmem:s0+$0x290]  }
0x13f: {  	v3 =	vld.idx.msk [tilespmem:v3+s20+$0x0], $0xffff  }
0x140: {  	[tilespmem:s31+$0x19290] =	vst v2;
	v2 =	vld [tilespmem:s31+$0x2B0]  }
0x141: {  	v1 =	vld.idx.msk [tilespmem:v1+s20+$0x0], $0xffff;
	_ =	sdelay $0x3  }
0x142: {  	[tilespmem:s0+$0x19280] =	vst v3;
	v3 =	vld [tilespmem:s0+$0x2A0]  }
0x143: {  	[tilespmem:s31+$0x192A0] =	vst v1;
	v1 =	vld [tilespmem:s31+$0x2C0]  }
0x144: {  	v4 =	vld.idx.msk [tilespmem:v4+s20+$0x0], $0xffff  }
0x145: {  	s1 =	simm.s32 $0x100;
	v2 =	vld.idx.msk [tilespmem:v2+s20+$0x0], $0xffff  }
0x146: {  	v5 =	vld [tilespmem:s1+$0x280];
	_ =	sdelay $0x2  }
0x147: {  	[tilespmem:s0+$0x19290] =	vst v4;
	v4 =	vld [tilespmem:s0+$0x2B0]  }
0x148: {  	[tilespmem:s31+$0x192B0] =	vst v2;
	v2 =	vld [tilespmem:s31+$0x2D0]  }
0x149: {  	v1 =	vld.idx.msk [tilespmem:v1+s20+$0x0], $0xffff  }
0x14a: {  	v3 =	vld.idx.msk [tilespmem:v3+s20+$0x0], $0xffff  }
0x14b: {  	v6 =	vld [tilespmem:s1+$0x290]  }
0x14c: {  	v5 =	vld.idx.msk [tilespmem:v5+s20+$0x0], $0xffff;
	_ =	sdelay $0x1  }
0x14d: {  	[tilespmem:s31+$0x192C0] =	vst v1;
	v1 =	vld [tilespmem:s31+$0x2E0]  }
0x14e: {  	[tilespmem:s0+$0x192A0] =	vst v3;
	v3 =	vld [tilespmem:s0+$0x2C0]  }
0x14f: {  	v2 =	vld.idx.msk [tilespmem:v2+s20+$0x0], $0xffff  }
0x150: {  	[tilespmem:s1+$0x19280] =	vst v5;
	v5 =	vld [tilespmem:s1+$0x2A0]  }
0x151: {  	v4 =	vld.idx.msk [tilespmem:v4+s20+$0x0], $0xffff  }
0x152: {  	s18 =	simm.s32 $0x800;
	s17 =	simm.s32 $0x180;
	v6 =	vld.idx.msk [tilespmem:v6+s20+$0x0], $0xffff  }
.LBB2_8:
0x153: {  	p0 =	sne.s32 s18, $0x18E00;
	v7 =	vld [tilespmem:s17+$0x280];
	s2 =	smov.u32 s0;
	s0 =	smov.u32 s1  }
0x154: {  	s1 =	smov.u32 s17;
	[tilespmem:s31+$0x192D0] =	vst v2;
	v2 =	vld [tilespmem:s31+$0x2F0]  }
0x155: {  	v1 =	vld.idx.msk [tilespmem:v1+s20+$0x0], $0xffff  }
0x156: {  	[tilespmem:s2+$0x192B0] =	vst v4;
	v4 =	vld [tilespmem:s2+$0x2D0]  }
0x157: {  	v3 =	vld.idx.msk [tilespmem:v3+s20+$0x0], $0xffff  }
0x158: {  	[tilespmem:s0+$0x19290] =	vst v6;
	v6 =	vld [tilespmem:s0+$0x2B0]  }
0x159: {  	v5 =	vld.idx.msk [tilespmem:v5+s20+$0x0], $0xffff  }
0x15a: {  	v8 =	vld [tilespmem:s1+$0x290]  }
0x15b: {  	v7 =	vld.idx.msk [tilespmem:v7+s20+$0x0], $0xffff;
	[tilespmem:s31+$0x192E0] =	vst v1  }
0x15c: {  	v9 =	vld.idx.msk [tilespmem:v2+s20+$0x0], $0xffff  }
0x15d: {  	[tilespmem:s2+$0x192C0] =	vst v3;
	v1 =	vld [tilespmem:s2+$0x2E0]  }
.Ltmp3:
0x15e: {  	v2 =	vld.idx.msk [tilespmem:v4+s20+$0x0], $0xffff;
	(pc) =	sbr.rel @p0 .LBB2_8-.Ltmp3, $4  }
0x15f: {  	[tilespmem:s0+$0x192A0] =	vst v5;
	v3 =	vld [tilespmem:s0+$0x2C0]  }
0x160: {  	v4 =	vld.idx.msk [tilespmem:v6+s20+$0x0], $0xffff  }
0x161: {  	[tilespmem:s1+$0x19280] =	vst v7;
	v5 =	vld [tilespmem:s1+$0x2A0]  }
0x162: {  	s17 =	sshra.s32 s18, $0x2;
	s18 =	sadd.s32 $0x200, s18;
	v6 =	vld.idx.msk [tilespmem:v8+s20+$0x0], $0xffff;
	[tilespmem:s31+$0x192F0] =	vst v9;
	s31 =	smov.u32 s2  }
0x163: {  	v7 =	vld [tilespmem:s17+$0x280];
	_ =	sdelay $0x5  }
0x164: {  	v8 =	vld [tilespmem:s17+$0x290];
	_ =	sdelay $0x1  }
0x165: {  	v7 =	vld.idx.msk [tilespmem:v7+s20+$0x0], $0xffff;
	_ =	sdelay $0x3  }
0x166: {  	v50 =	vld [tilespmem:s17+$0x2A0]  }
0x167: {  	[tilespmem:s17+$0x19280] =	vst v7  }
0x168: {  	v8 =	vld.idx.msk [tilespmem:v8+s20+$0x0], $0xffff;
	_ =	sdelay $0x2  }
0x169: {  	v51 =	vld [tilespmem:s1+$0x2B0]  }
0x16a: {  	v52 =	vld [tilespmem:s17+$0x2B0];
	[tilespmem:s1+$0x19290] =	vst v6  }
0x16b: {  	v5 =	vld.idx.msk [tilespmem:v5+s20+$0x0], $0xffff;
	[tilespmem:s17+$0x19290] =	vst v8  }
0x16c: {  	v7 =	vld.idx.msk [tilespmem:v50+s20+$0x0], $0xffff;
	_ =	sdelay $0x1  }
0x16d: {  	v53 =	vld [tilespmem:s1+$0x2C0]  }
0x16e: {  	v54 =	vld [tilespmem:s17+$0x2C0]  }
0x16f: {  	v55 =	vld [tilespmem:s0+$0x2D0];
	[tilespmem:s1+$0x192A0] =	vst v5  }
0x170: {  	v6 =	vld.idx.msk [tilespmem:v51+s20+$0x0], $0xffff;
	[tilespmem:s17+$0x192A0] =	vst v7  }
0x171: {  	v8 =	vld.idx.msk [tilespmem:v52+s20+$0x0], $0xffff  }
0x172: {  	v56 =	vld [tilespmem:s1+$0x2D0]  }
0x173: {  	v57 =	vld [tilespmem:s17+$0x2D0];
	[tilespmem:s0+$0x192B0] =	vst v4  }
0x174: {  	v3 =	vld.idx.msk [tilespmem:v3+s20+$0x0], $0xffff  }
0x175: {  	v58 =	vld [tilespmem:s1+$0x2E0];
	[tilespmem:s1+$0x192B0] =	vst v6  }
0x176: {  	v5 =	vld.idx.msk [tilespmem:v53+s20+$0x0], $0xffff;
	[tilespmem:s17+$0x192B0] =	vst v8  }
0x177: {  	v7 =	vld.idx.msk [tilespmem:v54+s20+$0x0], $0xffff  }
0x178: {  	v59 =	vld [tilespmem:s17+$0x2E0]  }
0x179: {  	[tilespmem:s0+$0x192C0] =	vst v3;
	v3 =	vld [tilespmem:s0+$0x2E0]  }
0x17a: {  	v60 =	vld [tilespmem:s31+$0x2F0]  }
0x17b: {  	v4 =	vld.idx.msk [tilespmem:v55+s20+$0x0], $0xffff;
	[tilespmem:s1+$0x192C0] =	vst v5  }
0x17c: {  	v6 =	vld.idx.msk [tilespmem:v56+s20+$0x0], $0xffff;
	[tilespmem:s17+$0x192C0] =	vst v7  }
0x17d: {  	[tilespmem:s31+$0x192D0] =	vst v2;
	v2 =	vld.idx.msk [tilespmem:v57+s20+$0x0], $0xffff  }
0x17e: {  	v61 =	vld [tilespmem:s0+$0x2F0]  }
0x17f: {  	v62 =	vld [tilespmem:s1+$0x2F0]  }
0x180: {  	v1 =	vld.idx.msk [tilespmem:v1+s20+$0x0], $0xffff;
	[tilespmem:s0+$0x192D0] =	vst v4  }
0x181: {  	v3 =	vld.idx.msk [tilespmem:v3+s20+$0x0], $0xffff;
	[tilespmem:s1+$0x192D0] =	vst v6  }
0x182: {  	[tilespmem:s17+$0x192D0] =	vst v2;
	v2 =	vld [tilespmem:s17+$0x2F0]  }
0x183: {  	v5 =	vld.idx.msk [tilespmem:v58+s20+$0x0], $0xffff  }
0x184: {  	v7 =	vld.idx.msk [tilespmem:v59+s20+$0x0], $0xffff;
	_ =	sdelay $0x1  }
0x185: {  	[tilespmem:s31+$0x192E0] =	vst v1  }
0x186: {  	v1 =	vld.idx.msk [tilespmem:v60+s20+$0x0], $0xffff;
	[tilespmem:s0+$0x192E0] =	vst v3  }
0x187: {  	v3 =	vld.idx.msk [tilespmem:v61+s20+$0x0], $0xffff;
	[tilespmem:s1+$0x192E0] =	vst v5  }
0x188: {  	v63 =	vld.idx.msk [tilespmem:v62+s20+$0x0], $0xffff;
	[tilespmem:s17+$0x192E0] =	vst v7  }
0x189: {  	v2 =	vld.idx.msk [tilespmem:v2+s20+$0x0], $0xffff;
	_ =	sdelay $0x1  }
0x18a: {  	[tilespmem:s31+$0x192F0] =	vst v1  }
0x18b: {  	[tilespmem:s0+$0x192F0] =	vst v3  }
0x18c: {  	[tilespmem:s1+$0x192F0] =	vst v63  }
0x18d: {  	s30 =	sadd.s32 $0x1, s30;
	[tilespmem:s17+$0x192F0] =	vst v2  }
0x18e: {  	[hbm4b:s11+s21] =	stream.strided.scatter [tilespmem:s25], [sflag:$0x5], $0x6400, s22, s21, $0x38;
	[tilespmem:$0x1F680] =	vst v63  }
0x18f: {  	p0 =	sne.s32 s30, s12;
	_ =	swait.ge [sflag:s29], $0x6400  }
.Ltmp4:
0x190: {  	[sflag:s29] =	ssyncset.done $0x0;
	(pc) =	sbr.rel @p0 .LBB2_1-.Ltmp4, $4  }
0x191: {  	[sflag:s29] =	ssyncadd.s32 $0xFFFF9C00  }
0x192: {  	_ =	swait.ge [sflag:s28], $0x6400  }
0x193: {  	[sflag:s28] =	ssyncset.done $0x0  }
0x194: {  	[sflag:s28] =	ssyncadd.s32 $0xFFFF9C00  }
0x195: {  	_ =	sfence.sel $0x180000  }
0x196: {  	[bflag:$0x0] =	sbarrier.arrive $0xFFFF  }
0x197: {  	_ =	strace $0x90000047  }
0x198: {  	s0 =	stileid.u32;
	[bflag:$0x2] =	sbarrier.arrive $0xFFFF  }
0x199: {  	p0 =	sne.s32 s0, $0x0;
	s0 =	rddreg [dreg:$0x3]  }
0x19a: {  	s0 =	sadd.s32 @!p0 $0x100000, s0  }
0x19b: {  	[sflag:s0] =	ssyncadd.tile.s32 @!p0 $0x1;
	_ =	shalt  }
.Lfunc_end2:
_tile_overlayer_lowered:
.L_overlay_start_2:
0x19c: {  	(tag) =	ssettag $0x2  }
0x19d: {  	s0 =	rddreg [dreg:$0x0];
	s2 =	stileid.u32  }
0x19e: {  	s1 =	rddreg [dreg:$0x1];
	p0 =	sne.s32 s2, $0x0  }
0x19f: {  	s3 =	rddreg [dreg:$0x2];
	[bflag:$0x3] =	sbarrier.arrive $0xFFFF;
	s2 =	simm.s32 @!p0 $0x1C06  }
0x1a0: {  	[timem:s3], [sflag:s2] =	dma.local @!p0 [hbm:s0], s1  }
0x1a1: {  	s0 =	simm.s32 @!p0 $0x6  }
0x1a2: {  	_ =	swait.ge @!p0 [sflag:s0], s1  }
0x1a3: {  	s1 =	ssub.s32 @!p0 $0x0, s1;
	[sflag:s0] =	ssyncset.done @!p0 $0x0  }
0x1a4: {  	[sflag:s0] =	ssyncadd.s32 @!p0 s1  }
0x1a5: {  	[bflag:$0x3] =	sbarrier.arrive $0xFFFF  }
0x1a6: {  	_ =	shalt  }

</sc_bundles>
